<compile_context>
chip_gen: v7x
topology: tpu7x:2x2x1
jax: 0.10.2.dev20260603
libtpu: 0.0.44.dev20260713+nightly
codegen_flags: <defaults>
</compile_context>

<pallas_src>
import functools

import jax
import jax.numpy as jnp
from jax import lax
from jax.experimental import pallas as pl
from jax.experimental.pallas import tpu as pltpu
from jax.experimental.pallas import tpu_sc as plsc

N = 10000
NP = 10240
E = 160000
E_PAD = 163840
CHUNK = 128
NCH1 = 80
NCH2 = 40
NSUB = 16
STRIPE = NP // NSUB
BLK = 1024

_mesh = plsc.VectorSubcoreMesh(core_axis_name="c", subcore_axis_name="s")



@functools.partial(
    pl.kernel,
    out_type=jax.ShapeDtypeStruct((32, NP), jnp.float32),
    mesh=_mesh,
    scratch_types=[
        pltpu.VMEM((E_PAD // 32,), jnp.int32),
        pltpu.VMEM((NP,), jnp.float32),
    ],
    compiler_params=pltpu.CompilerParams(needs_layout_passes=False),
)
def _deg_kernel(dst_hbm, out_hbm, dstv, counts):
    c = lax.axis_index("c")
    s = lax.axis_index("s")
    w = c * NSUB + s

    def zero(i, carry):
        counts[pl.ds(i * 16, 16)] = jnp.zeros((16,), jnp.float32)
        return carry

    lax.fori_loop(0, NP // 16, zero, 0)
    pltpu.sync_copy(dst_hbm.at[w], dstv)
    ones = jnp.ones((16,), jnp.float32)

    def body(i, carry):
        idx = dstv[pl.ds(i * 16, 16)]
        plsc.addupdate_scatter(counts, [idx], ones)
        return carry

    lax.fori_loop(0, E_PAD // 32 // 16, body, 0)
    pltpu.sync_copy(counts, out_hbm.at[w])


@functools.partial(
    pl.kernel,
    out_type=[jax.ShapeDtypeStruct((NP, 128), jnp.float32),
              jax.ShapeDtypeStruct((NP, 128), jnp.float32)],
    mesh=_mesh,
    scratch_types=[
        pltpu.VMEM((NCH1, CHUNK), jnp.int32),
        pltpu.VMEM((NCH1, CHUNK), jnp.int32),
        pltpu.VMEM((CHUNK, 128), jnp.float32),
        pltpu.VMEM_SHARED((NP, 128), jnp.float32),
        pltpu.SemaphoreType.DMA,
    ],
)
def _seg1_kernel(ha_hbm, hb_hbm, src_hbm, dst_hbm, zero_hbm,
                 oa_hbm, ob_hbm, srcv, dstv, buf, acc, sem):
    c = lax.axis_index("c")
    s = lax.axis_index("s")
    pltpu.sync_copy(src_hbm.at[s], srcv)
    pltpu.sync_copy(dst_hbm.at[s], dstv)
    pltpu.sync_copy(zero_hbm.at[pl.ds(s * STRIPE, STRIPE)],
                    acc.at[pl.ds(s * STRIPE, STRIPE)])
    plsc.subcore_barrier()

    def run(h_hbm, out_hbm):
        def body(j, carry):
            pltpu.async_copy(h_hbm.at[srcv.at[j]], buf, sem).wait()
            pltpu.sync_copy(buf, acc.at[dstv.at[j]], add=True)
            return carry

        lax.fori_loop(0, NCH1, body, 0)
        plsc.subcore_barrier()
        pltpu.sync_copy(acc.at[pl.ds(s * STRIPE, STRIPE)],
                        out_hbm.at[pl.ds(s * STRIPE, STRIPE)])

    @pl.when(c == 0)
    def _():
        run(ha_hbm, oa_hbm)

    @pl.when(c == 1)
    def _():
        run(hb_hbm, ob_hbm)


@functools.partial(
    pl.kernel,
    out_type=[jax.ShapeDtypeStruct((NP, 64), jnp.float32),
              jax.ShapeDtypeStruct((NP, 64), jnp.float32)],
    mesh=_mesh,
    scratch_types=[
        pltpu.VMEM((NCH2, CHUNK), jnp.int32),
        pltpu.VMEM((NCH2, CHUNK), jnp.int32),
        pltpu.VMEM((CHUNK, 64), jnp.float32),
        pltpu.VMEM_SHARED((NP, 64), jnp.float32),
        pltpu.SemaphoreType.DMA,
    ],
    compiler_params=pltpu.CompilerParams(use_tc_tiling_on_sc=False),
)
def _seg2_kernel(h_hbm, src_hbm, dst_hbm, zero_hbm,
                 o0_hbm, o1_hbm, srcv, dstv, buf, acc, sem):
    c = lax.axis_index("c")
    s = lax.axis_index("s")
    w = c * NSUB + s
    pltpu.sync_copy(src_hbm.at[w], srcv)
    pltpu.sync_copy(dst_hbm.at[w], dstv)
    pltpu.sync_copy(zero_hbm.at[pl.ds(s * STRIPE, STRIPE)],
                    acc.at[pl.ds(s * STRIPE, STRIPE)])
    plsc.subcore_barrier()

    def body(j, carry):
        pltpu.async_copy(h_hbm.at[srcv.at[j]], buf, sem).wait()
        pltpu.sync_copy(buf, acc.at[dstv.at[j]], add=True)
        return carry

    lax.fori_loop(0, NCH2, body, 0)
    plsc.subcore_barrier()

    @pl.when(c == 0)
    def _():
        pltpu.sync_copy(acc.at[pl.ds(s * STRIPE, STRIPE)],
                        o0_hbm.at[pl.ds(s * STRIPE, STRIPE)])

    @pl.when(c == 1)
    def _():
        pltpu.sync_copy(acc.at[pl.ds(s * STRIPE, STRIPE)],
                        o1_hbm.at[pl.ds(s * STRIPE, STRIPE)])



def _dis_of(counts_blk):
    deg = jnp.sum(counts_blk, axis=0) + 1.0
    return lax.rsqrt(jnp.maximum(deg, 1.0))


def _tc1_body(counts_ref, x_ref, w1_ref, ha_ref, hb_ref):
    dis = _dis_of(counts_ref[...])
    h = jnp.dot(x_ref[...], w1_ref[...], preferred_element_type=jnp.float32)
    h = h * dis[:, None]
    ha_ref[...] = h[:, :128]
    hb_ref[...] = h[:, 128:]


def _tc2_body(counts_ref, s1a_ref, s1b_ref, ha_ref, hb_ref, b1_ref, w2_ref,
              out_ref):
    dis = _dis_of(counts_ref[...])
    agg = jnp.concatenate([s1a_ref[...] + ha_ref[...],
                           s1b_ref[...] + hb_ref[...]], axis=1)
    z = jnp.maximum(dis[:, None] * agg + b1_ref[...][0][None, :], 0.0)
    h2 = jnp.dot(z, w2_ref[...], preferred_element_type=jnp.float32)
    out_ref[...] = h2 * dis[:, None]


def _tc3_body(counts_ref, s0_ref, s1_ref, h2_ref, b2_ref, out_ref):
    dis = _dis_of(counts_ref[...])
    agg = s0_ref[...] + s1_ref[...] + h2_ref[...]
    out_ref[...] = dis[:, None] * agg + b2_ref[...][0][None, :]


def _counts_spec():
    return pl.BlockSpec((32, BLK), lambda i: (0, i))


def _row_spec(d):
    return pl.BlockSpec((BLK, d), lambda i: (i, 0))


def _full_spec(shape):
    return pl.BlockSpec(shape, lambda i: tuple(0 for _ in shape))


def _tc1(counts, xp, W1):
    return pl.pallas_call(
        _tc1_body,
        grid=(NP // BLK,),
        in_specs=[_counts_spec(), _row_spec(256), _full_spec((256, 256))],
        out_specs=[_row_spec(128), _row_spec(128)],
        out_shape=[jax.ShapeDtypeStruct((NP, 128), jnp.float32)] * 2,
    )(counts, xp, W1)


def _tc2(counts, s1a, s1b, ha, hb, b1t, W2):
    return pl.pallas_call(
        _tc2_body,
        grid=(NP // BLK,),
        in_specs=[_counts_spec(), _row_spec(128), _row_spec(128),
                  _row_spec(128), _row_spec(128), _full_spec((8, 256)),
                  _full_spec((256, 64))],
        out_specs=_row_spec(64),
        out_shape=jax.ShapeDtypeStruct((NP, 64), jnp.float32),
    )(counts, s1a, s1b, ha, hb, b1t, W2)


def _tc3(counts, s0, s1, h2s, b2t):
    return pl.pallas_call(
        _tc3_body,
        grid=(NP // BLK,),
        in_specs=[_counts_spec(), _row_spec(64), _row_spec(64), _row_spec(64),
                  _full_spec((8, 64))],
        out_specs=_row_spec(64),
        out_shape=jax.ShapeDtypeStruct((NP, 64), jnp.float32),
    )(counts, s0, s1, h2s, b2t)



def kernel(x, edge_index, W1, b1, W2, b2):
    n = x.shape[0]
    src = edge_index[0]
    dst = edge_index[1]
    pad = E_PAD - src.shape[0]
    sp = jnp.concatenate([src, jnp.zeros((pad,), jnp.int32)])
    dp = jnp.concatenate([dst, jnp.full((pad,), n, jnp.int32)])
    xp = jnp.pad(x, ((0, NP - n), (0, 0)))
    b1t = jnp.tile(b1[None, :], (8, 1))
    b2t = jnp.tile(b2[None, :], (8, 1))

    counts = _deg_kernel(dp.reshape(32, -1))
    ha, hb = _tc1(counts, xp, W1)
    s1a, s1b = _seg1_kernel(ha, hb,
                            sp.reshape(NSUB, NCH1, CHUNK),
                            dp.reshape(NSUB, NCH1, CHUNK),
                            jnp.zeros((NP, 128), jnp.float32))
    h2s = _tc2(counts, s1a, s1b, ha, hb, b1t, W2)
    s2p0, s2p1 = _seg2_kernel(h2s,
                              sp.reshape(32, NCH2, CHUNK),
                              dp.reshape(32, NCH2, CHUNK),
                              jnp.zeros((NP, 64), jnp.float32))
    out = _tc3(counts, s2p0, s2p1, h2s, b2t)
    return out[:n]

# --- scband reference (transcript-rebuilt; emitter-appended) ---
"""Pipeline reference for scband-ewc-class-il-15985868276248 (READ-ONLY COPY).

The authoritative reference and input builder live on the scoring server;
editing this copy changes nothing except your own understanding.
"""

import jax, jax.numpy as jnp
import numpy as np

N_NODES = 10000
N_EDGES = 160000
D_FEAT = 256
D_HID = 256
N_CLASSES = 64


def setup_inputs(seed: int = 0) -> dict:
    key = jax.random.key(seed)
    ks = jax.random.split(key, 6)
    x = jax.random.normal(ks[0], (N_NODES, D_FEAT), dtype=jnp.float32)
    edge_index = jax.random.randint(ks[1], (2, N_EDGES), 0, N_NODES, dtype=jnp.int32)
    W1 = jax.random.normal(ks[2], (D_FEAT, D_HID), dtype=jnp.float32) * (1.0 / np.sqrt(D_FEAT))
    b1 = jnp.zeros((D_HID,), dtype=jnp.float32)
    W2 = jax.random.normal(ks[3], (D_HID, N_CLASSES), dtype=jnp.float32) * (1.0 / np.sqrt(D_HID))
    b2 = jnp.zeros((N_CLASSES,), dtype=jnp.float32)
    return {"x": x, "edge_index": edge_index, "W1": W1, "b1": b1, "W2": W2, "b2": b2}


def _gcn_conv(x, W, b, src, dst, n_nodes):
    # GCNConv with symmetric normalization and self-loops (PyG semantics)
    h = x @ W
    loop = jnp.arange(n_nodes, dtype=src.dtype)
    s = jnp.concatenate([src, loop])
    d = jnp.concatenate([dst, loop])
    deg = jax.ops.segment_sum(jnp.ones_like(s, dtype=h.dtype), d, num_segments=n_nodes)
    dis = jax.lax.rsqrt(jnp.maximum(deg, 1.0))
    norm = dis[s] * dis[d]
    msg = jnp.take(h, s, axis=0) * norm[:, None]
    out = jax.ops.segment_sum(msg, d, num_segments=n_nodes)
    return out + b


def reference(x, edge_index, W1, b1, W2, b2):
    # backbone forward: 2-layer GCN (conv1 -> ReLU -> conv2), as called by
    # EWC_Class_IL.standard_train/standard_test: out = self.backbone(x, edge_index)
    n_nodes = x.shape[0]
    src = edge_index[0]
    dst = edge_index[1]
    h = _gcn_conv(x, W1, b1, src, dst, n_nodes)
    h = jax.nn.relu(h)
    out = _gcn_conv(h, W2, b2, src, dst, n_nodes)
    return out

if __name__ == "__main__":
    import jax
    _d = setup_inputs()
    print(jax.jit(kernel)(*tuple(_d.values())))

</pallas_src>

<mosaic_0001>
#map = affine_map<(d0, d1) -> (0, 0)>
module attributes {stable_mosaic.version = 14 : i64} {
  func.func @_deg_kernel(%arg0: i32, %arg1: i32, %arg2: memref<32x5120xi32, #tpu.memory_space<hbm>>, %arg3: memref<32x10240xf32, #tpu.memory_space<hbm>>, %arg4: memref<5120xi32, #tpu.memory_space<vmem>>, %arg5: memref<10240xf32, #tpu.memory_space<vmem>>) attributes {dimension_semantics = [#tpu.dimension_semantics<core_parallel>, #tpu.dimension_semantics<subcore_parallel>], iteration_bounds = array<i64: 2, 16>, scalar_prefetch = 0 : i64, scratch_operands = 2 : i64, tpu.core_type = #tpu.core_type<sc_vector_subcore>, window_params = [{transform_indices = #map}, {transform_indices = #map}]} {
    %mul3A = arith.constant 16 : i32
    %mul3A_0 = arith.muli %arg0, %mul3A : i32
    %add3A = arith.addi %mul3A_0, %arg1 : i32
    %scan3A = arith.constant 0 : i32
    %scan3A_1 = arith.constant 0 : i32
    %scan3A_2 = arith.constant 640 : i32
    %scan3A_3 = arith.addi %scan3A_1, %scan3A_2 : i32
    %scan3A_4 = arith.constant 1 : i32
    scf.for %scan3A_13 = %scan3A_1 to %scan3A_3 step %scan3A_4  : i32 {
      %broadcast_in_dim3A_14 = arith.constant 0.000000e+00 : f32
      %broadcast_in_dim3A_15 = vector.broadcast %broadcast_in_dim3A_14 : f32 to vector<16xf32>
      %mul3A_16 = arith.constant 16 : i32
      %mul3A_17 = arith.muli %scan3A_13, %mul3A_16 : i32
      %swap3A = arith.index_cast %mul3A_17 : i32 to index
      %swap3A_18 = tpu.vector_load %arg5[%swap3A] {strides = array<i32>} : memref<10240xf32, #tpu.memory_space<vmem>>, vector<16xf32>,
      tpu.vector_store %arg5[%swap3A], %broadcast_in_dim3A_15 {strides = array<i32>} : memref<10240xf32, #tpu.memory_space<vmem>>, vector<16xf32>,
    }
    %scan3A_5 = arith.constant 640 : i32
    "tpu.region"() ({
      %run_scoped3A = tpu.sem_alloc : memref<!tpu.dma_semaphore, #tpu.memory_space<semaphore_mem>>
      %dma_start3A = arith.constant 0 : i32
      %dma_start3A_13 = tpu.memref_slice %arg2[%add3A, %dma_start3A] : memref<32x5120xi32, #tpu.memory_space<hbm>> -> memref<1x5120xi32, #tpu.memory_space<hbm>>
      %dma_start3A_14 = tpu.memref_squeeze %dma_start3A_13 : memref<1x5120xi32, #tpu.memory_space<hbm>> -> memref<5120xi32, #tpu.memory_space<hbm>>
      %dma_start3A_15 = arith.constant 0 : i32
      %dma_start3A_16 = tpu.memref_slice %arg2[%add3A, %dma_start3A_15] : memref<32x5120xi32, #tpu.memory_space<hbm>> -> memref<1x5120xi32, #tpu.memory_space<hbm>>
      %dma_start3A_17 = tpu.memref_squeeze %dma_start3A_16 : memref<1x5120xi32, #tpu.memory_space<hbm>> -> memref<5120xi32, #tpu.memory_space<hbm>>
      tpu.enqueue_dma source(%dma_start3A_17 : memref<5120xi32, #tpu.memory_space<hbm>>) target(%arg4 : memref<5120xi32, #tpu.memory_space<vmem>>) target_semaphore(%run_scoped3A : memref<!tpu.dma_semaphore, #tpu.memory_space<semaphore_mem>>)
      %dma_wait3A = arith.constant 0 : i32
      %dma_wait3A_18 = tpu.memref_slice %arg2[%add3A, %dma_wait3A] : memref<32x5120xi32, #tpu.memory_space<hbm>> -> memref<1x5120xi32, #tpu.memory_space<hbm>>
      %dma_wait3A_19 = tpu.memref_squeeze %dma_wait3A_18 : memref<1x5120xi32, #tpu.memory_space<hbm>> -> memref<5120xi32, #tpu.memory_space<hbm>>
      %dma_wait3A_20 = arith.constant 0 : i32
      %dma_wait3A_21 = tpu.memref_slice %arg2[%add3A, %dma_wait3A_20] : memref<32x5120xi32, #tpu.memory_space<hbm>> -> memref<1x5120xi32, #tpu.memory_space<hbm>>
      %dma_wait3A_22 = tpu.memref_squeeze %dma_wait3A_21 : memref<1x5120xi32, #tpu.memory_space<hbm>> -> memref<5120xi32, #tpu.memory_space<hbm>>
      tpu.wait_dma2 semaphore(%run_scoped3A : memref<!tpu.dma_semaphore, #tpu.memory_space<semaphore_mem>>) src(%dma_wait3A_22 : memref<5120xi32, #tpu.memory_space<hbm>>) dst(%arg4 : memref<5120xi32, #tpu.memory_space<vmem>>)
      tpu.yield
    }) : () -> ()
    %broadcast_in_dim3A = arith.constant 1.000000e+00 : f32
    %broadcast_in_dim3A_6 = vector.broadcast %broadcast_in_dim3A : f32 to vector<16xf32>
    %scan3A_7 = arith.constant 0 : i32
    %scan3A_8 = arith.constant 0 : i32
    %scan3A_9 = arith.constant 320 : i32
    %scan3A_10 = arith.addi %scan3A_8, %scan3A_9 : i32
    %scan3A_11 = arith.constant 1 : i32
    scf.for %scan3A_13 = %scan3A_8 to %scan3A_10 step %scan3A_11  : i32 {
      %mul3A_14 = arith.constant 16 : i32
      %mul3A_15 = arith.muli %scan3A_13, %mul3A_14 : i32
      %get3A = arith.index_cast %mul3A_15 : i32 to index
      %get3A_16 = tpu.vector_load %arg4[%get3A] {strides = array<i32>} : memref<5120xi32, #tpu.memory_space<vmem>>, vector<16xi32>,
      tpu.vector_store_idx %arg5[%get3A_16], %broadcast_in_dim3A_6 {add = true} : memref<10240xf32, #tpu.memory_space<vmem>>[vector<16xi32>], vector<16xf32>,
    }
    %scan3A_12 = arith.constant 320 : i32
    "tpu.region"() ({
      %run_scoped3A = tpu.sem_alloc : memref<!tpu.dma_semaphore, #tpu.memory_space<semaphore_mem>>
      %dma_start3A = arith.constant 0 : i32
      %dma_start3A_13 = tpu.memref_slice %arg3[%add3A, %dma_start3A] : memref<32x10240xf32, #tpu.memory_space<hbm>> -> memref<1x10240xf32, #tpu.memory_space<hbm>>
      %dma_start3A_14 = tpu.memref_squeeze %dma_start3A_13 : memref<1x10240xf32, #tpu.memory_space<hbm>> -> memref<10240xf32, #tpu.memory_space<hbm>>
      %dma_start3A_15 = arith.constant 0 : i32
      %dma_start3A_16 = tpu.memref_slice %arg3[%add3A, %dma_start3A_15] : memref<32x10240xf32, #tpu.memory_space<hbm>> -> memref<1x10240xf32, #tpu.memory_space<hbm>>
      %dma_start3A_17 = tpu.memref_squeeze %dma_start3A_16 : memref<1x10240xf32, #tpu.memory_space<hbm>> -> memref<10240xf32, #tpu.memory_space<hbm>>
      tpu.enqueue_dma source(%arg5 : memref<10240xf32, #tpu.memory_space<vmem>>) target(%dma_start3A_17 : memref<10240xf32, #tpu.memory_space<hbm>>) target_semaphore(%run_scoped3A : memref<!tpu.dma_semaphore, #tpu.memory_space<semaphore_mem>>)
      %dma_wait3A = arith.constant 0 : i32
      %dma_wait3A_18 = tpu.memref_slice %arg3[%add3A, %dma_wait3A] : memref<32x10240xf32, #tpu.memory_space<hbm>> -> memref<1x10240xf32, #tpu.memory_space<hbm>>
      %dma_wait3A_19 = tpu.memref_squeeze %dma_wait3A_18 : memref<1x10240xf32, #tpu.memory_space<hbm>> -> memref<10240xf32, #tpu.memory_space<hbm>>
      %dma_wait3A_20 = arith.constant 0 : i32
      %dma_wait3A_21 = tpu.memref_slice %arg3[%add3A, %dma_wait3A_20] : memref<32x10240xf32, #tpu.memory_space<hbm>> -> memref<1x10240xf32, #tpu.memory_space<hbm>>
      %dma_wait3A_22 = tpu.memref_squeeze %dma_wait3A_21 : memref<1x10240xf32, #tpu.memory_space<hbm>> -> memref<10240xf32, #tpu.memory_space<hbm>>
      tpu.wait_dma2 semaphore(%run_scoped3A : memref<!tpu.dma_semaphore, #tpu.memory_space<semaphore_mem>>) src(%arg5 : memref<10240xf32, #tpu.memory_space<vmem>>) dst(%dma_wait3A_22 : memref<10240xf32, #tpu.memory_space<hbm>>)
      tpu.yield
    }) : () -> ()
    return
  }
}

#map = affine_map<(d0, d1) -> (0, 0)>
#map1 = affine_map<(d0, d1) -> (0, 0, 0)>
module attributes {stable_mosaic.version = 14 : i64} {
  func.func @_seg2_kernel(%arg0: i32, %arg1: i32, %arg2: memref<10240x64xf32, #tpu.memory_space<hbm>>, %arg3: memref<32x40x128xi32, #tpu.memory_space<hbm>>, %arg4: memref<32x40x128xi32, #tpu.memory_space<hbm>>, %arg5: memref<10240x64xf32, #tpu.memory_space<hbm>>, %arg6: memref<10240x64xf32, #tpu.memory_space<hbm>>, %arg7: memref<10240x64xf32, #tpu.memory_space<hbm>>, %arg8: memref<40x128xi32, #tpu.memory_space<vmem>>, %arg9: memref<40x128xi32, #tpu.memory_space<vmem>>, %arg10: memref<128x64xf32, #tpu.memory_space<vmem>>, %arg11: memref<10240x64xf32, #tpu.memory_space<vmem_shared>>, %arg12: memref<!tpu.dma_semaphore, #tpu.memory_space<semaphore_mem>>) attributes {dimension_semantics = [#tpu.dimension_semantics<core_parallel>, #tpu.dimension_semantics<subcore_parallel>], iteration_bounds = array<i64: 2, 16>, scalar_prefetch = 0 : i64, scratch_operands = 5 : i64, tpu.core_type = #tpu.core_type<sc_vector_subcore>, window_params = [{transform_indices = #map}, {transform_indices = #map1}, {transform_indices = #map1}, {transform_indices = #map}, {transform_indices = #map}, {transform_indices = #map}]} {
    %mul3A = arith.constant 16 : i32
    %mul3A_0 = arith.muli %arg0, %mul3A : i32
    %add3A = arith.addi %mul3A_0, %arg1 : i32
    "tpu.region"() ({
      %run_scoped3A = tpu.sem_alloc : memref<!tpu.dma_semaphore, #tpu.memory_space<semaphore_mem>>
      %dma_start3A = arith.constant 0 : i32
      %dma_start3A_18 = arith.constant 0 : i32
      %dma_start3A_19 = tpu.memref_slice %arg3[%add3A, %dma_start3A, %dma_start3A_18] : memref<32x40x128xi32, #tpu.memory_space<hbm>> -> memref<1x40x128xi32, #tpu.memory_space<hbm>>
      %dma_start3A_20 = tpu.memref_squeeze %dma_start3A_19 : memref<1x40x128xi32, #tpu.memory_space<hbm>> -> memref<40x128xi32, #tpu.memory_space<hbm>>
      %dma_start3A_21 = arith.constant 0 : i32
      %dma_start3A_22 = arith.constant 0 : i32
      %dma_start3A_23 = tpu.memref_slice %arg3[%add3A, %dma_start3A_21, %dma_start3A_22] : memref<32x40x128xi32, #tpu.memory_space<hbm>> -> memref<1x40x128xi32, #tpu.memory_space<hbm>>
      %dma_start3A_24 = tpu.memref_squeeze %dma_start3A_23 : memref<1x40x128xi32, #tpu.memory_space<hbm>> -> memref<40x128xi32, #tpu.memory_space<hbm>>
      tpu.enqueue_dma source(%dma_start3A_24 : memref<40x128xi32, #tpu.memory_space<hbm>>) target(%arg8 : memref<40x128xi32, #tpu.memory_space<vmem>>) target_semaphore(%run_scoped3A : memref<!tpu.dma_semaphore, #tpu.memory_space<semaphore_mem>>)
      %dma_wait3A = arith.constant 0 : i32
      %dma_wait3A_25 = arith.constant 0 : i32
      %dma_wait3A_26 = tpu.memref_slice %arg3[%add3A, %dma_wait3A, %dma_wait3A_25] : memref<32x40x128xi32, #tpu.memory_space<hbm>> -> memref<1x40x128xi32, #tpu.memory_space<hbm>>
      %dma_wait3A_27 = tpu.memref_squeeze %dma_wait3A_26 : memref<1x40x128xi32, #tpu.memory_space<hbm>> -> memref<40x128xi32, #tpu.memory_space<hbm>>
      %dma_wait3A_28 = arith.constant 0 : i32
      %dma_wait3A_29 = arith.constant 0 : i32
      %dma_wait3A_30 = tpu.memref_slice %arg3[%add3A, %dma_wait3A_28, %dma_wait3A_29] : memref<32x40x128xi32, #tpu.memory_space<hbm>> -> memref<1x40x128xi32, #tpu.memory_space<hbm>>
      %dma_wait3A_31 = tpu.memref_squeeze %dma_wait3A_30 : memref<1x40x128xi32, #tpu.memory_space<hbm>> -> memref<40x128xi32, #tpu.memory_space<hbm>>
      tpu.wait_dma2 semaphore(%run_scoped3A : memref<!tpu.dma_semaphore, #tpu.memory_space<semaphore_mem>>) src(%dma_wait3A_31 : memref<40x128xi32, #tpu.memory_space<hbm>>) dst(%arg8 : memref<40x128xi32, #tpu.memory_space<vmem>>)
      tpu.yield
    }) : () -> ()
    "tpu.region"() ({
      %run_scoped3A = tpu.sem_alloc : memref<!tpu.dma_semaphore, #tpu.memory_space<semaphore_mem>>
      %dma_start3A = arith.constant 0 : i32
      %dma_start3A_18 = arith.constant 0 : i32
      %dma_start3A_19 = tpu.memref_slice %arg4[%add3A, %dma_start3A, %dma_start3A_18] : memref<32x40x128xi32, #tpu.memory_space<hbm>> -> memref<1x40x128xi32, #tpu.memory_space<hbm>>
      %dma_start3A_20 = tpu.memref_squeeze %dma_start3A_19 : memref<1x40x128xi32, #tpu.memory_space<hbm>> -> memref<40x128xi32, #tpu.memory_space<hbm>>
      %dma_start3A_21 = arith.constant 0 : i32
      %dma_start3A_22 = arith.constant 0 : i32
      %dma_start3A_23 = tpu.memref_slice %arg4[%add3A, %dma_start3A_21, %dma_start3A_22] : memref<32x40x128xi32, #tpu.memory_space<hbm>> -> memref<1x40x128xi32, #tpu.memory_space<hbm>>
      %dma_start3A_24 = tpu.memref_squeeze %dma_start3A_23 : memref<1x40x128xi32, #tpu.memory_space<hbm>> -> memref<40x128xi32, #tpu.memory_space<hbm>>
      tpu.enqueue_dma source(%dma_start3A_24 : memref<40x128xi32, #tpu.memory_space<hbm>>) target(%arg9 : memref<40x128xi32, #tpu.memory_space<vmem>>) target_semaphore(%run_scoped3A : memref<!tpu.dma_semaphore, #tpu.memory_space<semaphore_mem>>)
      %dma_wait3A = arith.constant 0 : i32
      %dma_wait3A_25 = arith.constant 0 : i32
      %dma_wait3A_26 = tpu.memref_slice %arg4[%add3A, %dma_wait3A, %dma_wait3A_25] : memref<32x40x128xi32, #tpu.memory_space<hbm>> -> memref<1x40x128xi32, #tpu.memory_space<hbm>>
      %dma_wait3A_27 = tpu.memref_squeeze %dma_wait3A_26 : memref<1x40x128xi32, #tpu.memory_space<hbm>> -> memref<40x128xi32, #tpu.memory_space<hbm>>
      %dma_wait3A_28 = arith.constant 0 : i32
      %dma_wait3A_29 = arith.constant 0 : i32
      %dma_wait3A_30 = tpu.memref_slice %arg4[%add3A, %dma_wait3A_28, %dma_wait3A_29] : memref<32x40x128xi32, #tpu.memory_space<hbm>> -> memref<1x40x128xi32, #tpu.memory_space<hbm>>
      %dma_wait3A_31 = tpu.memref_squeeze %dma_wait3A_30 : memref<1x40x128xi32, #tpu.memory_space<hbm>> -> memref<40x128xi32, #tpu.memory_space<hbm>>
      tpu.wait_dma2 semaphore(%run_scoped3A : memref<!tpu.dma_semaphore, #tpu.memory_space<semaphore_mem>>) src(%dma_wait3A_31 : memref<40x128xi32, #tpu.memory_space<hbm>>) dst(%arg9 : memref<40x128xi32, #tpu.memory_space<vmem>>)
      tpu.yield
    }) : () -> ()
    %mul3A_1 = arith.constant 640 : i32
    %mul3A_2 = arith.muli %arg1, %mul3A_1 : i32
    %mul3A_3 = arith.constant 640 : i32
    %mul3A_4 = arith.muli %arg1, %mul3A_3 : i32
    "tpu.region"() ({
      %run_scoped3A = tpu.sem_alloc : memref<!tpu.dma_semaphore, #tpu.memory_space<semaphore_mem>>
      %dma_start3A = arith.constant 0 : i32
      %dma_start3A_18 = tpu.memref_slice %arg11[%mul3A_4, %dma_start3A] : memref<10240x64xf32, #tpu.memory_space<vmem_shared>> -> memref<640x64xf32, #tpu.memory_space<vmem_shared>>
      %dma_start3A_19 = arith.constant 0 : i32
      %dma_start3A_20 = tpu.memref_slice %arg5[%mul3A_2, %dma_start3A_19] : memref<10240x64xf32, #tpu.memory_space<hbm>> -> memref<640x64xf32, #tpu.memory_space<hbm>>
      tpu.enqueue_dma source(%dma_start3A_20 : memref<640x64xf32, #tpu.memory_space<hbm>>) target(%dma_start3A_18 : memref<640x64xf32, #tpu.memory_space<vmem_shared>>) target_semaphore(%run_scoped3A : memref<!tpu.dma_semaphore, #tpu.memory_space<semaphore_mem>>)
      %dma_wait3A = arith.constant 0 : i32
      %dma_wait3A_21 = tpu.memref_slice %arg11[%mul3A_4, %dma_wait3A] : memref<10240x64xf32, #tpu.memory_space<vmem_shared>> -> memref<640x64xf32, #tpu.memory_space<vmem_shared>>
      %dma_wait3A_22 = arith.constant 0 : i32
      %dma_wait3A_23 = tpu.memref_slice %arg5[%mul3A_2, %dma_wait3A_22] : memref<10240x64xf32, #tpu.memory_space<hbm>> -> memref<640x64xf32, #tpu.memory_space<hbm>>
      tpu.wait_dma2 semaphore(%run_scoped3A : memref<!tpu.dma_semaphore, #tpu.memory_space<semaphore_mem>>) src(%dma_wait3A_23 : memref<640x64xf32, #tpu.memory_space<hbm>>) dst(%dma_wait3A_21 : memref<640x64xf32, #tpu.memory_space<vmem_shared>>)
      tpu.yield
    }) : () -> ()
    %barrier3A = arith.constant 0 : index
    tpu.barrier barrier_id(%barrier3A)
    %scan3A = arith.constant 0 : i32
    %scan3A_5 = arith.constant 0 : i32
    %scan3A_6 = arith.constant 40 : i32
    %scan3A_7 = arith.addi %scan3A_5, %scan3A_6 : i32
    %scan3A_8 = arith.constant 1 : i32
    scf.for %scan3A_18 = %scan3A_5 to %scan3A_7 step %scan3A_8  : i32 {
      %dma_start3A = arith.constant 0 : i32
      %dma_start3A_19 = tpu.memref_slice %arg8[%scan3A_18, %dma_start3A] : memref<40x128xi32, #tpu.memory_space<vmem>> -> memref<1x128xi32, #tpu.memory_space<vmem>>
      %dma_start3A_20 = tpu.memref_squeeze %dma_start3A_19 : memref<1x128xi32, #tpu.memory_space<vmem>> -> memref<128xi32, #tpu.memory_space<vmem>>
      %dma_start3A_21 = arith.constant 0 : i32
      %dma_start3A_22 = arith.constant 0 : i32
      %dma_start3A_23 = tpu.memref_slice %arg2[%dma_start3A_21, %dma_start3A_22] : memref<10240x64xf32, #tpu.memory_space<hbm>> -> memref<10240x64xf32, #tpu.memory_space<hbm>>
      tpu.enqueue_indirect_dma source(%dma_start3A_23 : memref<10240x64xf32, #tpu.memory_space<hbm>>) target(%arg10 : memref<128x64xf32, #tpu.memory_space<vmem>>) offsets(%dma_start3A_20 : memref<128xi32, #tpu.memory_space<vmem>>) semaphore(%arg12 : memref<!tpu.dma_semaphore, #tpu.memory_space<semaphore_mem>>)
      %dma_wait3A = arith.constant 0 : i32
      %dma_wait3A_24 = tpu.memref_slice %arg8[%scan3A_18, %dma_wait3A] : memref<40x128xi32, #tpu.memory_space<vmem>> -> memref<1x128xi32, #tpu.memory_space<vmem>>
      %dma_wait3A_25 = tpu.memref_squeeze %dma_wait3A_24 : memref<1x128xi32, #tpu.memory_space<vmem>> -> memref<128xi32, #tpu.memory_space<vmem>>
      %dma_wait3A_26 = arith.constant 0 : i32
      %dma_wait3A_27 = arith.constant 0 : i32
      %dma_wait3A_28 = tpu.memref_slice %arg2[%dma_wait3A_26, %dma_wait3A_27] : memref<10240x64xf32, #tpu.memory_space<hbm>> -> memref<10240x64xf32, #tpu.memory_space<hbm>>
      tpu.wait_indirect_dma semaphore(%arg12 : memref<!tpu.dma_semaphore, #tpu.memory_space<semaphore_mem>>) src(%dma_wait3A_28 : memref<10240x64xf32, #tpu.memory_space<hbm>>) dst(%arg10 : memref<128x64xf32, #tpu.memory_space<vmem>>)
      "tpu.region"() ({
        %run_scoped3A = tpu.sem_alloc : memref<!tpu.dma_semaphore, #tpu.memory_space<semaphore_mem>>
        %dma_start3A_29 = arith.constant 0 : i32
        %dma_start3A_30 = tpu.memref_slice %arg9[%scan3A_18, %dma_start3A_29] : memref<40x128xi32, #tpu.memory_space<vmem>> -> memref<1x128xi32, #tpu.memory_space<vmem>>
        %dma_start3A_31 = tpu.memref_squeeze %dma_start3A_30 : memref<1x128xi32, #tpu.memory_space<vmem>> -> memref<128xi32, #tpu.memory_space<vmem>>
        %dma_start3A_32 = arith.constant 0 : i32
        %dma_start3A_33 = arith.constant 0 : i32
        %dma_start3A_34 = tpu.memref_slice %arg11[%dma_start3A_32, %dma_start3A_33] : memref<10240x64xf32, #tpu.memory_space<vmem_shared>> -> memref<10240x64xf32, #tpu.memory_space<vmem_shared>>
        tpu.enqueue_indirect_dma source(%arg10 : memref<128x64xf32, #tpu.memory_space<vmem>>) target(%dma_start3A_34 : memref<10240x64xf32, #tpu.memory_space<vmem_shared>>) offsets(%dma_start3A_31 : memref<128xi32, #tpu.memory_space<vmem>>) semaphore(%run_scoped3A : memref<!tpu.dma_semaphore, #tpu.memory_space<semaphore_mem>>) {add = true}
        %dma_wait3A_35 = arith.constant 0 : i32
        %dma_wait3A_36 = tpu.memref_slice %arg9[%scan3A_18, %dma_wait3A_35] : memref<40x128xi32, #tpu.memory_space<vmem>> -> memref<1x128xi32, #tpu.memory_space<vmem>>
        %dma_wait3A_37 = tpu.memref_squeeze %dma_wait3A_36 : memref<1x128xi32, #tpu.memory_space<vmem>> -> memref<128xi32, #tpu.memory_space<vmem>>
        %dma_wait3A_38 = arith.constant 0 : i32
        %dma_wait3A_39 = arith.constant 0 : i32
        %dma_wait3A_40 = tpu.memref_slice %arg11[%dma_wait3A_38, %dma_wait3A_39] : memref<10240x64xf32, #tpu.memory_space<vmem_shared>> -> memref<10240x64xf32, #tpu.memory_space<vmem_shared>>
        tpu.wait_indirect_dma semaphore(%run_scoped3A : memref<!tpu.dma_semaphore, #tpu.memory_space<semaphore_mem>>) src(%arg10 : memref<128x64xf32, #tpu.memory_space<vmem>>) dst(%dma_wait3A_40 : memref<10240x64xf32, #tpu.memory_space<vmem_shared>>)
        tpu.yield
      }) : () -> ()
    }
    %scan3A_9 = arith.constant 40 : i32
    %barrier3A_10 = arith.constant 0 : index
    tpu.barrier barrier_id(%barrier3A_10)
    %eq3A = arith.constant 0 : i32
    %eq3A_11 = arith.cmpi eq, %arg0, %eq3A : i32
    %convert_element_type3A = arith.extui %eq3A_11 : i1 to i32
    %cond3A = arith.constant 0 : i32
    %cond3A_12 = arith.cmpi ne, %convert_element_type3A, %cond3A : i32
    scf.if %cond3A_12 {
      %mul3A_18 = arith.constant 640 : i32
      %mul3A_19 = arith.muli %arg1, %mul3A_18 : i32
      %mul3A_20 = arith.constant 640 : i32
      %mul3A_21 = arith.muli %arg1, %mul3A_20 : i32
      "tpu.region"() ({
        %run_scoped3A = tpu.sem_alloc : memref<!tpu.dma_semaphore, #tpu.memory_space<semaphore_mem>>
        %dma_start3A = arith.constant 0 : i32
        %dma_start3A_22 = tpu.memref_slice %arg6[%mul3A_21, %dma_start3A] : memref<10240x64xf32, #tpu.memory_space<hbm>> -> memref<640x64xf32, #tpu.memory_space<hbm>>
        %dma_start3A_23 = arith.constant 0 : i32
        %dma_start3A_24 = tpu.memref_slice %arg11[%mul3A_19, %dma_start3A_23] : memref<10240x64xf32, #tpu.memory_space<vmem_shared>> -> memref<640x64xf32, #tpu.memory_space<vmem_shared>>
        tpu.enqueue_dma source(%dma_start3A_24 : memref<640x64xf32, #tpu.memory_space<vmem_shared>>) target(%dma_start3A_22 : memref<640x64xf32, #tpu.memory_space<hbm>>) target_semaphore(%run_scoped3A : memref<!tpu.dma_semaphore, #tpu.memory_space<semaphore_mem>>)
        %dma_wait3A = arith.constant 0 : i32
        %dma_wait3A_25 = tpu.memref_slice %arg6[%mul3A_21, %dma_wait3A] : memref<10240x64xf32, #tpu.memory_space<hbm>> -> memref<640x64xf32, #tpu.memory_space<hbm>>
        %dma_wait3A_26 = arith.constant 0 : i32
        %dma_wait3A_27 = tpu.memref_slice %arg11[%mul3A_19, %dma_wait3A_26] : memref<10240x64xf32, #tpu.memory_space<vmem_shared>> -> memref<640x64xf32, #tpu.memory_space<vmem_shared>>
        tpu.wait_dma2 semaphore(%run_scoped3A : memref<!tpu.dma_semaphore, #tpu.memory_space<semaphore_mem>>) src(%dma_wait3A_27 : memref<640x64xf32, #tpu.memory_space<vmem_shared>>) dst(%dma_wait3A_25 : memref<640x64xf32, #tpu.memory_space<hbm>>)
        tpu.yield
      }) : () -> ()
    } else {
    }
    %eq3A_13 = arith.constant 1 : i32
    %eq3A_14 = arith.cmpi eq, %arg0, %eq3A_13 : i32
    %convert_element_type3A_15 = arith.extui %eq3A_14 : i1 to i32
    %cond3A_16 = arith.constant 0 : i32
    %cond3A_17 = arith.cmpi ne, %convert_element_type3A_15, %cond3A_16 : i32
    scf.if %cond3A_17 {
      %mul3A_18 = arith.constant 640 : i32
      %mul3A_19 = arith.muli %arg1, %mul3A_18 : i32
      %mul3A_20 = arith.constant 640 : i32
      %mul3A_21 = arith.muli %arg1, %mul3A_20 : i32
      "tpu.region"() ({
        %run_scoped3A = tpu.sem_alloc : memref<!tpu.dma_semaphore, #tpu.memory_space<semaphore_mem>>
        %dma_start3A = arith.constant 0 : i32
        %dma_start3A_22 = tpu.memref_slice %arg7[%mul3A_21, %dma_start3A] : memref<10240x64xf32, #tpu.memory_space<hbm>> -> memref<640x64xf32, #tpu.memory_space<hbm>>
        %dma_start3A_23 = arith.constant 0 : i32
        %dma_start3A_24 = tpu.memref_slice %arg11[%mul3A_19, %dma_start3A_23] : memref<10240x64xf32, #tpu.memory_space<vmem_shared>> -> memref<640x64xf32, #tpu.memory_space<vmem_shared>>
        tpu.enqueue_dma source(%dma_start3A_24 : memref<640x64xf32, #tpu.memory_space<vmem_shared>>) target(%dma_start3A_22 : memref<640x64xf32, #tpu.memory_space<hbm>>) target_semaphore(%run_scoped3A : memref<!tpu.dma_semaphore, #tpu.memory_space<semaphore_mem>>)
        %dma_wait3A = arith.constant 0 : i32
        %dma_wait3A_25 = tpu.memref_slice %arg7[%mul3A_21, %dma_wait3A] : memref<10240x64xf32, #tpu.memory_space<hbm>> -> memref<640x64xf32, #tpu.memory_space<hbm>>
        %dma_wait3A_26 = arith.constant 0 : i32
        %dma_wait3A_27 = tpu.memref_slice %arg11[%mul3A_19, %dma_wait3A_26] : memref<10240x64xf32, #tpu.memory_space<vmem_shared>> -> memref<640x64xf32, #tpu.memory_space<vmem_shared>>
        tpu.wait_dma2 semaphore(%run_scoped3A : memref<!tpu.dma_semaphore, #tpu.memory_space<semaphore_mem>>) src(%dma_wait3A_27 : memref<640x64xf32, #tpu.memory_space<vmem_shared>>) dst(%dma_wait3A_25 : memref<640x64xf32, #tpu.memory_space<hbm>>)
        tpu.yield
      }) : () -> ()
    } else {
    }
    return
  }
}

#map = affine_map<(d0, d1) -> (0, 0)>
#map1 = affine_map<(d0, d1) -> (0, 0, 0)>
module attributes {stable_mosaic.version = 14 : i64} {
  func.func @_seg1_kernel(%arg0: i32, %arg1: i32, %arg2: memref<10240x128xf32, #tpu.memory_space<hbm>>, %arg3: memref<10240x128xf32, #tpu.memory_space<hbm>>, %arg4: memref<16x80x128xi32, #tpu.memory_space<hbm>>, %arg5: memref<16x80x128xi32, #tpu.memory_space<hbm>>, %arg6: memref<10240x128xf32, #tpu.memory_space<hbm>>, %arg7: memref<10240x128xf32, #tpu.memory_space<hbm>>, %arg8: memref<10240x128xf32, #tpu.memory_space<hbm>>, %arg9: memref<80x128xi32, #tpu.memory_space<vmem>>, %arg10: memref<80x128xi32, #tpu.memory_space<vmem>>, %arg11: memref<128x128xf32, #tpu.memory_space<vmem>>, %arg12: memref<10240x128xf32, #tpu.memory_space<vmem_shared>>, %arg13: memref<!tpu.dma_semaphore, #tpu.memory_space<semaphore_mem>>) attributes {dimension_semantics = [#tpu.dimension_semantics<core_parallel>, #tpu.dimension_semantics<subcore_parallel>], iteration_bounds = array<i64: 2, 16>, scalar_prefetch = 0 : i64, scratch_operands = 5 : i64, tpu.core_type = #tpu.core_type<sc_vector_subcore>, window_params = [{transform_indices = #map}, {transform_indices = #map}, {transform_indices = #map1}, {transform_indices = #map1}, {transform_indices = #map}, {transform_indices = #map}, {transform_indices = #map}]} {
    "tpu.region"() ({
      %run_scoped3A = tpu.sem_alloc : memref<!tpu.dma_semaphore, #tpu.memory_space<semaphore_mem>>
      %dma_start3A = arith.constant 0 : i32
      %dma_start3A_10 = arith.constant 0 : i32
      %dma_start3A_11 = tpu.memref_slice %arg4[%arg1, %dma_start3A, %dma_start3A_10] : memref<16x80x128xi32, #tpu.memory_space<hbm>> -> memref<1x80x128xi32, #tpu.memory_space<hbm>>
      %dma_start3A_12 = tpu.memref_squeeze %dma_start3A_11 : memref<1x80x128xi32, #tpu.memory_space<hbm>> -> memref<80x128xi32, #tpu.memory_space<hbm>>
      %dma_start3A_13 = arith.constant 0 : i32
      %dma_start3A_14 = arith.constant 0 : i32
      %dma_start3A_15 = tpu.memref_slice %arg4[%arg1, %dma_start3A_13, %dma_start3A_14] : memref<16x80x128xi32, #tpu.memory_space<hbm>> -> memref<1x80x128xi32, #tpu.memory_space<hbm>>
      %dma_start3A_16 = tpu.memref_squeeze %dma_start3A_15 : memref<1x80x128xi32, #tpu.memory_space<hbm>> -> memref<80x128xi32, #tpu.memory_space<hbm>>
      tpu.enqueue_dma source(%dma_start3A_16 : memref<80x128xi32, #tpu.memory_space<hbm>>) target(%arg9 : memref<80x128xi32, #tpu.memory_space<vmem>>) target_semaphore(%run_scoped3A : memref<!tpu.dma_semaphore, #tpu.memory_space<semaphore_mem>>)
      %dma_wait3A = arith.constant 0 : i32
      %dma_wait3A_17 = arith.constant 0 : i32
      %dma_wait3A_18 = tpu.memref_slice %arg4[%arg1, %dma_wait3A, %dma_wait3A_17] : memref<16x80x128xi32, #tpu.memory_space<hbm>> -> memref<1x80x128xi32, #tpu.memory_space<hbm>>
      %dma_wait3A_19 = tpu.memref_squeeze %dma_wait3A_18 : memref<1x80x128xi32, #tpu.memory_space<hbm>> -> memref<80x128xi32, #tpu.memory_space<hbm>>
      %dma_wait3A_20 = arith.constant 0 : i32
      %dma_wait3A_21 = arith.constant 0 : i32
      %dma_wait3A_22 = tpu.memref_slice %arg4[%arg1, %dma_wait3A_20, %dma_wait3A_21] : memref<16x80x128xi32, #tpu.memory_space<hbm>> -> memref<1x80x128xi32, #tpu.memory_space<hbm>>
      %dma_wait3A_23 = tpu.memref_squeeze %dma_wait3A_22 : memref<1x80x128xi32, #tpu.memory_space<hbm>> -> memref<80x128xi32, #tpu.memory_space<hbm>>
      tpu.wait_dma2 semaphore(%run_scoped3A : memref<!tpu.dma_semaphore, #tpu.memory_space<semaphore_mem>>) src(%dma_wait3A_23 : memref<80x128xi32, #tpu.memory_space<hbm>>) dst(%arg9 : memref<80x128xi32, #tpu.memory_space<vmem>>)
      tpu.yield
    }) : () -> ()
    "tpu.region"() ({
      %run_scoped3A = tpu.sem_alloc : memref<!tpu.dma_semaphore, #tpu.memory_space<semaphore_mem>>
      %dma_start3A = arith.constant 0 : i32
      %dma_start3A_10 = arith.constant 0 : i32
      %dma_start3A_11 = tpu.memref_slice %arg5[%arg1, %dma_start3A, %dma_start3A_10] : memref<16x80x128xi32, #tpu.memory_space<hbm>> -> memref<1x80x128xi32, #tpu.memory_space<hbm>>
      %dma_start3A_12 = tpu.memref_squeeze %dma_start3A_11 : memref<1x80x128xi32, #tpu.memory_space<hbm>> -> memref<80x128xi32, #tpu.memory_space<hbm>>
      %dma_start3A_13 = arith.constant 0 : i32
      %dma_start3A_14 = arith.constant 0 : i32
      %dma_start3A_15 = tpu.memref_slice %arg5[%arg1, %dma_start3A_13, %dma_start3A_14] : memref<16x80x128xi32, #tpu.memory_space<hbm>> -> memref<1x80x128xi32, #tpu.memory_space<hbm>>
      %dma_start3A_16 = tpu.memref_squeeze %dma_start3A_15 : memref<1x80x128xi32, #tpu.memory_space<hbm>> -> memref<80x128xi32, #tpu.memory_space<hbm>>
      tpu.enqueue_dma source(%dma_start3A_16 : memref<80x128xi32, #tpu.memory_space<hbm>>) target(%arg10 : memref<80x128xi32, #tpu.memory_space<vmem>>) target_semaphore(%run_scoped3A : memref<!tpu.dma_semaphore, #tpu.memory_space<semaphore_mem>>)
      %dma_wait3A = arith.constant 0 : i32
      %dma_wait3A_17 = arith.constant 0 : i32
      %dma_wait3A_18 = tpu.memref_slice %arg5[%arg1, %dma_wait3A, %dma_wait3A_17] : memref<16x80x128xi32, #tpu.memory_space<hbm>> -> memref<1x80x128xi32, #tpu.memory_space<hbm>>
      %dma_wait3A_19 = tpu.memref_squeeze %dma_wait3A_18 : memref<1x80x128xi32, #tpu.memory_space<hbm>> -> memref<80x128xi32, #tpu.memory_space<hbm>>
      %dma_wait3A_20 = arith.constant 0 : i32
      %dma_wait3A_21 = arith.constant 0 : i32
      %dma_wait3A_22 = tpu.memref_slice %arg5[%arg1, %dma_wait3A_20, %dma_wait3A_21] : memref<16x80x128xi32, #tpu.memory_space<hbm>> -> memref<1x80x128xi32, #tpu.memory_space<hbm>>
      %dma_wait3A_23 = tpu.memref_squeeze %dma_wait3A_22 : memref<1x80x128xi32, #tpu.memory_space<hbm>> -> memref<80x128xi32, #tpu.memory_space<hbm>>
      tpu.wait_dma2 semaphore(%run_scoped3A : memref<!tpu.dma_semaphore, #tpu.memory_space<semaphore_mem>>) src(%dma_wait3A_23 : memref<80x128xi32, #tpu.memory_space<hbm>>) dst(%arg10 : memref<80x128xi32, #tpu.memory_space<vmem>>)
      tpu.yield
    }) : () -> ()
    %mul3A = arith.constant 640 : i32
    %mul3A_0 = arith.muli %arg1, %mul3A : i32
    %mul3A_1 = arith.constant 640 : i32
    %mul3A_2 = arith.muli %arg1, %mul3A_1 : i32
    "tpu.region"() ({
      %run_scoped3A = tpu.sem_alloc : memref<!tpu.dma_semaphore, #tpu.memory_space<semaphore_mem>>
      %dma_start3A = arith.constant 0 : i32
      %dma_start3A_10 = tpu.memref_slice %arg12[%mul3A_2, %dma_start3A] : memref<10240x128xf32, #tpu.memory_space<vmem_shared>> -> memref<640x128xf32, #tpu.memory_space<vmem_shared>>
      %dma_start3A_11 = arith.constant 0 : i32
      %dma_start3A_12 = tpu.memref_slice %arg6[%mul3A_0, %dma_start3A_11] : memref<10240x128xf32, #tpu.memory_space<hbm>> -> memref<640x128xf32, #tpu.memory_space<hbm>>
      tpu.enqueue_dma source(%dma_start3A_12 : memref<640x128xf32, #tpu.memory_space<hbm>>) target(%dma_start3A_10 : memref<640x128xf32, #tpu.memory_space<vmem_shared>>) target_semaphore(%run_scoped3A : memref<!tpu.dma_semaphore, #tpu.memory_space<semaphore_mem>>)
      %dma_wait3A = arith.constant 0 : i32
      %dma_wait3A_13 = tpu.memref_slice %arg12[%mul3A_2, %dma_wait3A] : memref<10240x128xf32, #tpu.memory_space<vmem_shared>> -> memref<640x128xf32, #tpu.memory_space<vmem_shared>>
      %dma_wait3A_14 = arith.constant 0 : i32
      %dma_wait3A_15 = tpu.memref_slice %arg6[%mul3A_0, %dma_wait3A_14] : memref<10240x128xf32, #tpu.memory_space<hbm>> -> memref<640x128xf32, #tpu.memory_space<hbm>>
      tpu.wait_dma2 semaphore(%run_scoped3A : memref<!tpu.dma_semaphore, #tpu.memory_space<semaphore_mem>>) src(%dma_wait3A_15 : memref<640x128xf32, #tpu.memory_space<hbm>>) dst(%dma_wait3A_13 : memref<640x128xf32, #tpu.memory_space<vmem_shared>>)
      tpu.yield
    }) : () -> ()
    %barrier3A = arith.constant 0 : index
    tpu.barrier barrier_id(%barrier3A)
    %eq3A = arith.constant 0 : i32
    %eq3A_3 = arith.cmpi eq, %arg0, %eq3A : i32
    %convert_element_type3A = arith.extui %eq3A_3 : i1 to i32
    %cond3A = arith.constant 0 : i32
    %cond3A_4 = arith.cmpi ne, %convert_element_type3A, %cond3A : i32
    scf.if %cond3A_4 {
      %scan3A = arith.constant 0 : i32
      %scan3A_10 = arith.constant 0 : i32
      %scan3A_11 = arith.constant 80 : i32
      %scan3A_12 = arith.addi %scan3A_10, %scan3A_11 : i32
      %scan3A_13 = arith.constant 1 : i32
      scf.for %scan3A_20 = %scan3A_10 to %scan3A_12 step %scan3A_13  : i32 {
        %dma_start3A = arith.constant 0 : i32
        %dma_start3A_21 = tpu.memref_slice %arg9[%scan3A_20, %dma_start3A] : memref<80x128xi32, #tpu.memory_space<vmem>> -> memref<1x128xi32, #tpu.memory_space<vmem>>
        %dma_start3A_22 = tpu.memref_squeeze %dma_start3A_21 : memref<1x128xi32, #tpu.memory_space<vmem>> -> memref<128xi32, #tpu.memory_space<vmem>>
        %dma_start3A_23 = arith.constant 0 : i32
        %dma_start3A_24 = arith.constant 0 : i32
        %dma_start3A_25 = tpu.memref_slice %arg2[%dma_start3A_23, %dma_start3A_24] : memref<10240x128xf32, #tpu.memory_space<hbm>> -> memref<10240x128xf32, #tpu.memory_space<hbm>>
        tpu.enqueue_indirect_dma source(%dma_start3A_25 : memref<10240x128xf32, #tpu.memory_space<hbm>>) target(%arg11 : memref<128x128xf32, #tpu.memory_space<vmem>>) offsets(%dma_start3A_22 : memref<128xi32, #tpu.memory_space<vmem>>) semaphore(%arg13 : memref<!tpu.dma_semaphore, #tpu.memory_space<semaphore_mem>>)
        %dma_wait3A = arith.constant 0 : i32
        %dma_wait3A_26 = tpu.memref_slice %arg9[%scan3A_20, %dma_wait3A] : memref<80x128xi32, #tpu.memory_space<vmem>> -> memref<1x128xi32, #tpu.memory_space<vmem>>
        %dma_wait3A_27 = tpu.memref_squeeze %dma_wait3A_26 : memref<1x128xi32, #tpu.memory_space<vmem>> -> memref<128xi32, #tpu.memory_space<vmem>>
        %dma_wait3A_28 = arith.constant 0 : i32
        %dma_wait3A_29 = arith.constant 0 : i32
        %dma_wait3A_30 = tpu.memref_slice %arg2[%dma_wait3A_28, %dma_wait3A_29] : memref<10240x128xf32, #tpu.memory_space<hbm>> -> memref<10240x128xf32, #tpu.memory_space<hbm>>
        tpu.wait_indirect_dma semaphore(%arg13 : memref<!tpu.dma_semaphore, #tpu.memory_space<semaphore_mem>>) src(%dma_wait3A_30 : memref<10240x128xf32, #tpu.memory_space<hbm>>) dst(%arg11 : memref<128x128xf32, #tpu.memory_space<vmem>>)
        "tpu.region"() ({
          %run_scoped3A = tpu.sem_alloc : memref<!tpu.dma_semaphore, #tpu.memory_space<semaphore_mem>>
          %dma_start3A_31 = arith.constant 0 : i32
          %dma_start3A_32 = tpu.memref_slice %arg10[%scan3A_20, %dma_start3A_31] : memref<80x128xi32, #tpu.memory_space<vmem>> -> memref<1x128xi32, #tpu.memory_space<vmem>>
          %dma_start3A_33 = tpu.memref_squeeze %dma_start3A_32 : memref<1x128xi32, #tpu.memory_space<vmem>> -> memref<128xi32, #tpu.memory_space<vmem>>
          %dma_start3A_34 = arith.constant 0 : i32
          %dma_start3A_35 = arith.constant 0 : i32
          %dma_start3A_36 = tpu.memref_slice %arg12[%dma_start3A_34, %dma_start3A_35] : memref<10240x128xf32, #tpu.memory_space<vmem_shared>> -> memref<10240x128xf32, #tpu.memory_space<vmem_shared>>
          tpu.enqueue_indirect_dma source(%arg11 : memref<128x128xf32, #tpu.memory_space<vmem>>) target(%dma_start3A_36 : memref<10240x128xf32, #tpu.memory_space<vmem_shared>>) offsets(%dma_start3A_33 : memref<128xi32, #tpu.memory_space<vmem>>) semaphore(%run_scoped3A : memref<!tpu.dma_semaphore, #tpu.memory_space<semaphore_mem>>) {add = true}
          %dma_wait3A_37 = arith.constant 0 : i32
          %dma_wait3A_38 = tpu.memref_slice %arg10[%scan3A_20, %dma_wait3A_37] : memref<80x128xi32, #tpu.memory_space<vmem>> -> memref<1x128xi32, #tpu.memory_space<vmem>>
          %dma_wait3A_39 = tpu.memref_squeeze %dma_wait3A_38 : memref<1x128xi32, #tpu.memory_space<vmem>> -> memref<128xi32, #tpu.memory_space<vmem>>
          %dma_wait3A_40 = arith.constant 0 : i32
          %dma_wait3A_41 = arith.constant 0 : i32
          %dma_wait3A_42 = tpu.memref_slice %arg12[%dma_wait3A_40, %dma_wait3A_41] : memref<10240x128xf32, #tpu.memory_space<vmem_shared>> -> memref<10240x128xf32, #tpu.memory_space<vmem_shared>>
          tpu.wait_indirect_dma semaphore(%run_scoped3A : memref<!tpu.dma_semaphore, #tpu.memory_space<semaphore_mem>>) src(%arg11 : memref<128x128xf32, #tpu.memory_space<vmem>>) dst(%dma_wait3A_42 : memref<10240x128xf32, #tpu.memory_space<vmem_shared>>)
          tpu.yield
        }) : () -> ()
      }
      %scan3A_14 = arith.constant 80 : i32
      %barrier3A_15 = arith.constant 0 : index
      tpu.barrier barrier_id(%barrier3A_15)
      %mul3A_16 = arith.constant 640 : i32
      %mul3A_17 = arith.muli %arg1, %mul3A_16 : i32
      %mul3A_18 = arith.constant 640 : i32
      %mul3A_19 = arith.muli %arg1, %mul3A_18 : i32
      "tpu.region"() ({
        %run_scoped3A = tpu.sem_alloc : memref<!tpu.dma_semaphore, #tpu.memory_space<semaphore_mem>>
        %dma_start3A = arith.constant 0 : i32
        %dma_start3A_20 = tpu.memref_slice %arg7[%mul3A_19, %dma_start3A] : memref<10240x128xf32, #tpu.memory_space<hbm>> -> memref<640x128xf32, #tpu.memory_space<hbm>>
        %dma_start3A_21 = arith.constant 0 : i32
        %dma_start3A_22 = tpu.memref_slice %arg12[%mul3A_17, %dma_start3A_21] : memref<10240x128xf32, #tpu.memory_space<vmem_shared>> -> memref<640x128xf32, #tpu.memory_space<vmem_shared>>
        tpu.enqueue_dma source(%dma_start3A_22 : memref<640x128xf32, #tpu.memory_space<vmem_shared>>) target(%dma_start3A_20 : memref<640x128xf32, #tpu.memory_space<hbm>>) target_semaphore(%run_scoped3A : memref<!tpu.dma_semaphore, #tpu.memory_space<semaphore_mem>>)
        %dma_wait3A = arith.constant 0 : i32
        %dma_wait3A_23 = tpu.memref_slice %arg7[%mul3A_19, %dma_wait3A] : memref<10240x128xf32, #tpu.memory_space<hbm>> -> memref<640x128xf32, #tpu.memory_space<hbm>>
        %dma_wait3A_24 = arith.constant 0 : i32
        %dma_wait3A_25 = tpu.memref_slice %arg12[%mul3A_17, %dma_wait3A_24] : memref<10240x128xf32, #tpu.memory_space<vmem_shared>> -> memref<640x128xf32, #tpu.memory_space<vmem_shared>>
        tpu.wait_dma2 semaphore(%run_scoped3A : memref<!tpu.dma_semaphore, #tpu.memory_space<semaphore_mem>>) src(%dma_wait3A_25 : memref<640x128xf32, #tpu.memory_space<vmem_shared>>) dst(%dma_wait3A_23 : memref<640x128xf32, #tpu.memory_space<hbm>>)
        tpu.yield
      }) : () -> ()
    } else {
    }
    %eq3A_5 = arith.constant 1 : i32
    %eq3A_6 = arith.cmpi eq, %arg0, %eq3A_5 : i32
    %convert_element_type3A_7 = arith.extui %eq3A_6 : i1 to i32
    %cond3A_8 = arith.constant 0 : i32
    %cond3A_9 = arith.cmpi ne, %convert_element_type3A_7, %cond3A_8 : i32
    scf.if %cond3A_9 {
      %scan3A = arith.constant 0 : i32
      %scan3A_10 = arith.constant 0 : i32
      %scan3A_11 = arith.constant 80 : i32
      %scan3A_12 = arith.addi %scan3A_10, %scan3A_11 : i32
      %scan3A_13 = arith.constant 1 : i32
      scf.for %scan3A_20 = %scan3A_10 to %scan3A_12 step %scan3A_13  : i32 {
        %dma_start3A = arith.constant 0 : i32
        %dma_start3A_21 = tpu.memref_slice %arg9[%scan3A_20, %dma_start3A] : memref<80x128xi32, #tpu.memory_space<vmem>> -> memref<1x128xi32, #tpu.memory_space<vmem>>
        %dma_start3A_22 = tpu.memref_squeeze %dma_start3A_21 : memref<1x128xi32, #tpu.memory_space<vmem>> -> memref<128xi32, #tpu.memory_space<vmem>>
        %dma_start3A_23 = arith.constant 0 : i32
        %dma_start3A_24 = arith.constant 0 : i32
        %dma_start3A_25 = tpu.memref_slice %arg3[%dma_start3A_23, %dma_start3A_24] : memref<10240x128xf32, #tpu.memory_space<hbm>> -> memref<10240x128xf32, #tpu.memory_space<hbm>>
        tpu.enqueue_indirect_dma source(%dma_start3A_25 : memref<10240x128xf32, #tpu.memory_space<hbm>>) target(%arg11 : memref<128x128xf32, #tpu.memory_space<vmem>>) offsets(%dma_start3A_22 : memref<128xi32, #tpu.memory_space<vmem>>) semaphore(%arg13 : memref<!tpu.dma_semaphore, #tpu.memory_space<semaphore_mem>>)
        %dma_wait3A = arith.constant 0 : i32
        %dma_wait3A_26 = tpu.memref_slice %arg9[%scan3A_20, %dma_wait3A] : memref<80x128xi32, #tpu.memory_space<vmem>> -> memref<1x128xi32, #tpu.memory_space<vmem>>
        %dma_wait3A_27 = tpu.memref_squeeze %dma_wait3A_26 : memref<1x128xi32, #tpu.memory_space<vmem>> -> memref<128xi32, #tpu.memory_space<vmem>>
        %dma_wait3A_28 = arith.constant 0 : i32
        %dma_wait3A_29 = arith.constant 0 : i32
        %dma_wait3A_30 = tpu.memref_slice %arg3[%dma_wait3A_28, %dma_wait3A_29] : memref<10240x128xf32, #tpu.memory_space<hbm>> -> memref<10240x128xf32, #tpu.memory_space<hbm>>
        tpu.wait_indirect_dma semaphore(%arg13 : memref<!tpu.dma_semaphore, #tpu.memory_space<semaphore_mem>>) src(%dma_wait3A_30 : memref<10240x128xf32, #tpu.memory_space<hbm>>) dst(%arg11 : memref<128x128xf32, #tpu.memory_space<vmem>>)
        "tpu.region"() ({
          %run_scoped3A = tpu.sem_alloc : memref<!tpu.dma_semaphore, #tpu.memory_space<semaphore_mem>>
          %dma_start3A_31 = arith.constant 0 : i32
          %dma_start3A_32 = tpu.memref_slice %arg10[%scan3A_20, %dma_start3A_31] : memref<80x128xi32, #tpu.memory_space<vmem>> -> memref<1x128xi32, #tpu.memory_space<vmem>>
          %dma_start3A_33 = tpu.memref_squeeze %dma_start3A_32 : memref<1x128xi32, #tpu.memory_space<vmem>> -> memref<128xi32, #tpu.memory_space<vmem>>
          %dma_start3A_34 = arith.constant 0 : i32
          %dma_start3A_35 = arith.constant 0 : i32
          %dma_start3A_36 = tpu.memref_slice %arg12[%dma_start3A_34, %dma_start3A_35] : memref<10240x128xf32, #tpu.memory_space<vmem_shared>> -> memref<10240x128xf32, #tpu.memory_space<vmem_shared>>
          tpu.enqueue_indirect_dma source(%arg11 : memref<128x128xf32, #tpu.memory_space<vmem>>) target(%dma_start3A_36 : memref<10240x128xf32, #tpu.memory_space<vmem_shared>>) offsets(%dma_start3A_33 : memref<128xi32, #tpu.memory_space<vmem>>) semaphore(%run_scoped3A : memref<!tpu.dma_semaphore, #tpu.memory_space<semaphore_mem>>) {add = true}
          %dma_wait3A_37 = arith.constant 0 : i32
          %dma_wait3A_38 = tpu.memref_slice %arg10[%scan3A_20, %dma_wait3A_37] : memref<80x128xi32, #tpu.memory_space<vmem>> -> memref<1x128xi32, #tpu.memory_space<vmem>>
          %dma_wait3A_39 = tpu.memref_squeeze %dma_wait3A_38 : memref<1x128xi32, #tpu.memory_space<vmem>> -> memref<128xi32, #tpu.memory_space<vmem>>
          %dma_wait3A_40 = arith.constant 0 : i32
          %dma_wait3A_41 = arith.constant 0 : i32
          %dma_wait3A_42 = tpu.memref_slice %arg12[%dma_wait3A_40, %dma_wait3A_41] : memref<10240x128xf32, #tpu.memory_space<vmem_shared>> -> memref<10240x128xf32, #tpu.memory_space<vmem_shared>>
          tpu.wait_indirect_dma semaphore(%run_scoped3A : memref<!tpu.dma_semaphore, #tpu.memory_space<semaphore_mem>>) src(%arg11 : memref<128x128xf32, #tpu.memory_space<vmem>>) dst(%dma_wait3A_42 : memref<10240x128xf32, #tpu.memory_space<vmem_shared>>)
          tpu.yield
        }) : () -> ()
      }
      %scan3A_14 = arith.constant 80 : i32
      %barrier3A_15 = arith.constant 0 : index
      tpu.barrier barrier_id(%barrier3A_15)
      %mul3A_16 = arith.constant 640 : i32
      %mul3A_17 = arith.muli %arg1, %mul3A_16 : i32
      %mul3A_18 = arith.constant 640 : i32
      %mul3A_19 = arith.muli %arg1, %mul3A_18 : i32
      "tpu.region"() ({
        %run_scoped3A = tpu.sem_alloc : memref<!tpu.dma_semaphore, #tpu.memory_space<semaphore_mem>>
        %dma_start3A = arith.constant 0 : i32
        %dma_start3A_20 = tpu.memref_slice %arg8[%mul3A_19, %dma_start3A] : memref<10240x128xf32, #tpu.memory_space<hbm>> -> memref<640x128xf32, #tpu.memory_space<hbm>>
        %dma_start3A_21 = arith.constant 0 : i32
        %dma_start3A_22 = tpu.memref_slice %arg12[%mul3A_17, %dma_start3A_21] : memref<10240x128xf32, #tpu.memory_space<vmem_shared>> -> memref<640x128xf32, #tpu.memory_space<vmem_shared>>
        tpu.enqueue_dma source(%dma_start3A_22 : memref<640x128xf32, #tpu.memory_space<vmem_shared>>) target(%dma_start3A_20 : memref<640x128xf32, #tpu.memory_space<hbm>>) target_semaphore(%run_scoped3A : memref<!tpu.dma_semaphore, #tpu.memory_space<semaphore_mem>>)
        %dma_wait3A = arith.constant 0 : i32
        %dma_wait3A_23 = tpu.memref_slice %arg8[%mul3A_19, %dma_wait3A] : memref<10240x128xf32, #tpu.memory_space<hbm>> -> memref<640x128xf32, #tpu.memory_space<hbm>>
        %dma_wait3A_24 = arith.constant 0 : i32
        %dma_wait3A_25 = tpu.memref_slice %arg12[%mul3A_17, %dma_wait3A_24] : memref<10240x128xf32, #tpu.memory_space<vmem_shared>> -> memref<640x128xf32, #tpu.memory_space<vmem_shared>>
        tpu.wait_dma2 semaphore(%run_scoped3A : memref<!tpu.dma_semaphore, #tpu.memory_space<semaphore_mem>>) src(%dma_wait3A_25 : memref<640x128xf32, #tpu.memory_space<vmem_shared>>) dst(%dma_wait3A_23 : memref<640x128xf32, #tpu.memory_space<hbm>>)
        tpu.yield
      }) : () -> ()
    } else {
    }
    return
  }
}

module attributes {stable_mosaic.version = 14 : i64} {
  func.func @_tc1_body(%arg0: i32, %arg1: memref<32x1024xf32, #tpu.memory_space<vmem>>, %arg2: memref<1024x256xf32, #tpu.memory_space<vmem>>, %arg3: memref<256x256xf32, #tpu.memory_space<vmem>>, %arg4: memref<1024x128xf32, #tpu.memory_space<vmem>>, %arg5: memref<1024x128xf32, #tpu.memory_space<vmem>>) attributes {dimension_semantics = [#tpu.dimension_semantics<arbitrary>], iteration_bounds = array<i64: 10>, scalar_prefetch = 0 : i64, scratch_operands = 0 : i64, tpu.core_type = #tpu.core_type<tc>, window_params = [{transform_indices = @transform_0, window_bounds = array<i64: 32, 1024>}, {transform_indices = @transform_1, window_bounds = array<i64: 1024, 256>}, {pipeline_mode = #tpu.pipeline_mode<synchronous>, transform_indices = @transform_2, window_bounds = array<i64: 256, 256>}, {transform_indices = @transform_3, window_bounds = array<i64: 1024, 128>}, {transform_indices = @transform_4, window_bounds = array<i64: 1024, 128>}]} {
    %get3A = arith.constant 0 : index
    %get3A_0 = arith.constant 0 : index
    %get3A_1 = vector.load %arg1[%get3A, %get3A_0] : memref<32x1024xf32, #tpu.memory_space<vmem>>, vector<32x1024xf32>
    %reduce_sum3A = arith.constant dense<0.000000e+00> : vector<1024xf32>
    %reduce_sum3A_2 = vector.multi_reduction <add>, %get3A_1, %reduce_sum3A [0] : vector<32x1024xf32> to vector<1024xf32>
    %add3A = arith.constant 1.000000e+00 : f32
    %add3A_3 = vector.broadcast %add3A : f32 to vector<1024xf32>
    %add3A_4 = arith.addf %reduce_sum3A_2, %add3A_3 : vector<1024xf32>
    %max3A = arith.constant 1.000000e+00 : f32
    %max3A_5 = vector.broadcast %max3A : f32 to vector<1024xf32>
    %max3A_6 = arith.maximumf %add3A_4, %max3A_5 : vector<1024xf32>
    %rsqrt3A = math.rsqrt %max3A_6 : vector<1024xf32>
    %get3A_7 = arith.constant 0 : index
    %get3A_8 = arith.constant 0 : index
    %get3A_9 = vector.load %arg2[%get3A_7, %get3A_8] : memref<1024x256xf32, #tpu.memory_space<vmem>>, vector<1024x256xf32>
    %get3A_10 = arith.constant 0 : index
    %get3A_11 = arith.constant 0 : index
    %get3A_12 = vector.load %arg3[%get3A_10, %get3A_11] : memref<256x256xf32, #tpu.memory_space<vmem>>, vector<256x256xf32>
    %dot_general3A = arith.constant dense<0.000000e+00> : vector<1024x256xf32>
    %dot_general3A_13 = tpu.matmul %get3A_9, %get3A_12, %dot_general3A {dimension_numbers = #tpu.dot_dimension_numbers<[1], [0], [0], [1], [0, 0, 1, 1], [], []>, transpose_lhs_hint = false} : vector<1024x256xf32>, vector<256x256xf32>, vector<1024x256xf32> -> vector<1024x256xf32>
    %broadcast_in_dim3A = vector.shape_cast %rsqrt3A : vector<1024xf32> to vector<1024x1xf32>
    %mul3A = vector.broadcast %broadcast_in_dim3A : vector<1024x1xf32> to vector<1024x256xf32>
    %mul3A_14 = arith.mulf %dot_general3A_13, %mul3A : vector<1024x256xf32>
    %slice3A = vector.extract_strided_slice %mul3A_14 {offsets = [0, 0], sizes = [1024, 128], strides = [1, 1]} : vector<1024x256xf32> to vector<1024x128xf32>
    %swap3A = arith.constant 0 : index
    %swap3A_15 = arith.constant 0 : index
    %swap3A_16 = vector.load %arg4[%swap3A, %swap3A_15] : memref<1024x128xf32, #tpu.memory_space<vmem>>, vector<1024x128xf32>
    tpu.vector_store %arg4[%swap3A, %swap3A_15], %slice3A {strides = array<i32>} : memref<1024x128xf32, #tpu.memory_space<vmem>>, vector<1024x128xf32>,
    %slice3A_17 = vector.extract_strided_slice %mul3A_14 {offsets = [0, 128], sizes = [1024, 128], strides = [1, 1]} : vector<1024x256xf32> to vector<1024x128xf32>
    %swap3A_18 = arith.constant 0 : index
    %swap3A_19 = arith.constant 0 : index
    %swap3A_20 = vector.load %arg5[%swap3A_18, %swap3A_19] : memref<1024x128xf32, #tpu.memory_space<vmem>>, vector<1024x128xf32>
    tpu.vector_store %arg5[%swap3A_18, %swap3A_19], %slice3A_17 {strides = array<i32>} : memref<1024x128xf32, #tpu.memory_space<vmem>>, vector<1024x128xf32>,
    return
  }
  func.func @transform_0(%arg0: i32) -> (i32, i32) {
    %c0_i32 = arith.constant 0 : i32
    %c0_i32_0 = arith.constant 0 : i32
    return %c0_i32, %arg0 : i32, i32
  }
  func.func @transform_1(%arg0: i32) -> (i32, i32) {
    %c0_i32 = arith.constant 0 : i32
    %c0_i32_0 = arith.constant 0 : i32
    return %arg0, %c0_i32 : i32, i32
  }
  func.func @transform_2(%arg0: i32) -> (i32, i32) {
    %c0_i32 = arith.constant 0 : i32
    %c0_i32_0 = arith.constant 0 : i32
    %c0_i32_1 = arith.constant 0 : i32
    return %c0_i32, %c0_i32_0 : i32, i32
  }
  func.func @transform_3(%arg0: i32) -> (i32, i32) {
    %c0_i32 = arith.constant 0 : i32
    %c0_i32_0 = arith.constant 0 : i32
    return %arg0, %c0_i32 : i32, i32
  }
  func.func @transform_4(%arg0: i32) -> (i32, i32) {
    %c0_i32 = arith.constant 0 : i32
    %c0_i32_0 = arith.constant 0 : i32
    return %arg0, %c0_i32 : i32, i32
  }
}

module attributes {stable_mosaic.version = 14 : i64} {
  func.func @_tc2_body(%arg0: i32, %arg1: memref<32x1024xf32, #tpu.memory_space<vmem>>, %arg2: memref<1024x128xf32, #tpu.memory_space<vmem>>, %arg3: memref<1024x128xf32, #tpu.memory_space<vmem>>, %arg4: memref<1024x128xf32, #tpu.memory_space<vmem>>, %arg5: memref<1024x128xf32, #tpu.memory_space<vmem>>, %arg6: memref<8x256xf32, #tpu.memory_space<vmem>>, %arg7: memref<256x64xf32, #tpu.memory_space<vmem>>, %arg8: memref<1024x64xf32, #tpu.memory_space<vmem>>) attributes {dimension_semantics = [#tpu.dimension_semantics<arbitrary>], iteration_bounds = array<i64: 10>, scalar_prefetch = 0 : i64, scratch_operands = 0 : i64, tpu.core_type = #tpu.core_type<tc>, window_params = [{transform_indices = @transform_0, window_bounds = array<i64: 32, 1024>}, {transform_indices = @transform_1, window_bounds = array<i64: 1024, 128>}, {transform_indices = @transform_2, window_bounds = array<i64: 1024, 128>}, {transform_indices = @transform_3, window_bounds = array<i64: 1024, 128>}, {transform_indices = @transform_4, window_bounds = array<i64: 1024, 128>}, {pipeline_mode = #tpu.pipeline_mode<synchronous>, transform_indices = @transform_5, window_bounds = array<i64: 8, 256>}, {pipeline_mode = #tpu.pipeline_mode<synchronous>, transform_indices = @transform_6, window_bounds = array<i64: 256, 64>}, {transform_indices = @transform_7, window_bounds = array<i64: 1024, 64>}]} {
    %get3A = arith.constant 0 : index
    %get3A_0 = arith.constant 0 : index
    %get3A_1 = vector.load %arg1[%get3A, %get3A_0] : memref<32x1024xf32, #tpu.memory_space<vmem>>, vector<32x1024xf32>
    %reduce_sum3A = arith.constant dense<0.000000e+00> : vector<1024xf32>
    %reduce_sum3A_2 = vector.multi_reduction <add>, %get3A_1, %reduce_sum3A [0] : vector<32x1024xf32> to vector<1024xf32>
    %add3A = arith.constant 1.000000e+00 : f32
    %add3A_3 = vector.broadcast %add3A : f32 to vector<1024xf32>
    %add3A_4 = arith.addf %reduce_sum3A_2, %add3A_3 : vector<1024xf32>
    %max3A = arith.constant 1.000000e+00 : f32
    %max3A_5 = vector.broadcast %max3A : f32 to vector<1024xf32>
    %max3A_6 = arith.maximumf %add3A_4, %max3A_5 : vector<1024xf32>
    %rsqrt3A = math.rsqrt %max3A_6 : vector<1024xf32>
    %get3A_7 = arith.constant 0 : index
    %get3A_8 = arith.constant 0 : index
    %get3A_9 = vector.load %arg2[%get3A_7, %get3A_8] : memref<1024x128xf32, #tpu.memory_space<vmem>>, vector<1024x128xf32>
    %get3A_10 = arith.constant 0 : index
    %get3A_11 = arith.constant 0 : index
    %get3A_12 = vector.load %arg4[%get3A_10, %get3A_11] : memref<1024x128xf32, #tpu.memory_space<vmem>>, vector<1024x128xf32>
    %add3A_13 = arith.addf %get3A_9, %get3A_12 : vector<1024x128xf32>
    %get3A_14 = arith.constant 0 : index
    %get3A_15 = arith.constant 0 : index
    %get3A_16 = vector.load %arg3[%get3A_14, %get3A_15] : memref<1024x128xf32, #tpu.memory_space<vmem>>, vector<1024x128xf32>
    %get3A_17 = arith.constant 0 : index
    %get3A_18 = arith.constant 0 : index
    %get3A_19 = vector.load %arg5[%get3A_17, %get3A_18] : memref<1024x128xf32, #tpu.memory_space<vmem>>, vector<1024x128xf32>
    %add3A_20 = arith.addf %get3A_16, %get3A_19 : vector<1024x128xf32>
    %concatenate3A = tpu.concatenate %add3A_13, %add3A_20 in 1 : vector<1024x128xf32>, vector<1024x128xf32> -> vector<1024x256xf32>
    %broadcast_in_dim3A = vector.shape_cast %rsqrt3A : vector<1024xf32> to vector<1024x1xf32>
    %mul3A = vector.broadcast %broadcast_in_dim3A : vector<1024x1xf32> to vector<1024x256xf32>
    %mul3A_21 = arith.mulf %mul3A, %concatenate3A : vector<1024x256xf32>
    %get3A_22 = arith.constant 0 : index
    %get3A_23 = arith.constant 0 : index
    %get3A_24 = vector.load %arg6[%get3A_22, %get3A_23] : memref<8x256xf32, #tpu.memory_space<vmem>>, vector<8x256xf32>
    %slice3A = vector.extract_strided_slice %get3A_24 {offsets = [0, 0], sizes = [1, 256], strides = [1, 1]} : vector<8x256xf32> to vector<1x256xf32>
    %squeeze3A = vector.shape_cast %slice3A : vector<1x256xf32> to vector<256xf32>
    %broadcast_in_dim3A_25 = vector.shape_cast %squeeze3A : vector<256xf32> to vector<1x256xf32>
    %add3A_26 = vector.broadcast %broadcast_in_dim3A_25 : vector<1x256xf32> to vector<1024x256xf32>
    %add3A_27 = arith.addf %mul3A_21, %add3A_26 : vector<1024x256xf32>
    %max3A_28 = arith.constant 0.000000e+00 : f32
    %max3A_29 = vector.broadcast %max3A_28 : f32 to vector<1024x256xf32>
    %max3A_30 = arith.maximumf %add3A_27, %max3A_29 : vector<1024x256xf32>
    %get3A_31 = arith.constant 0 : index
    %get3A_32 = arith.constant 0 : index
    %get3A_33 = vector.load %arg7[%get3A_31, %get3A_32] : memref<256x64xf32, #tpu.memory_space<vmem>>, vector<256x64xf32>
    %dot_general3A = arith.constant dense<0.000000e+00> : vector<1024x64xf32>
    %dot_general3A_34 = tpu.matmul %max3A_30, %get3A_33, %dot_general3A {dimension_numbers = #tpu.dot_dimension_numbers<[1], [0], [0], [1], [0, 0, 1, 1], [], []>, transpose_lhs_hint = false} : vector<1024x256xf32>, vector<256x64xf32>, vector<1024x64xf32> -> vector<1024x64xf32>
    %broadcast_in_dim3A_35 = vector.shape_cast %rsqrt3A : vector<1024xf32> to vector<1024x1xf32>
    %mul3A_36 = vector.broadcast %broadcast_in_dim3A_35 : vector<1024x1xf32> to vector<1024x64xf32>
    %mul3A_37 = arith.mulf %dot_general3A_34, %mul3A_36 : vector<1024x64xf32>
    %swap3A = arith.constant 0 : index
    %swap3A_38 = arith.constant 0 : index
    %swap3A_39 = vector.load %arg8[%swap3A, %swap3A_38] : memref<1024x64xf32, #tpu.memory_space<vmem>>, vector<1024x64xf32>
    tpu.vector_store %arg8[%swap3A, %swap3A_38], %mul3A_37 {strides = array<i32>} : memref<1024x64xf32, #tpu.memory_space<vmem>>, vector<1024x64xf32>,
    return
  }
  func.func @transform_0(%arg0: i32) -> (i32, i32) {
    %c0_i32 = arith.constant 0 : i32
    %c0_i32_0 = arith.constant 0 : i32
    return %c0_i32, %arg0 : i32, i32
  }
  func.func @transform_1(%arg0: i32) -> (i32, i32) {
    %c0_i32 = arith.constant 0 : i32
    %c0_i32_0 = arith.constant 0 : i32
    return %arg0, %c0_i32 : i32, i32
  }
  func.func @transform_2(%arg0: i32) -> (i32, i32) {
    %c0_i32 = arith.constant 0 : i32
    %c0_i32_0 = arith.constant 0 : i32
    return %arg0, %c0_i32 : i32, i32
  }
  func.func @transform_3(%arg0: i32) -> (i32, i32) {
    %c0_i32 = arith.constant 0 : i32
    %c0_i32_0 = arith.constant 0 : i32
    return %arg0, %c0_i32 : i32, i32
  }
  func.func @transform_4(%arg0: i32) -> (i32, i32) {
    %c0_i32 = arith.constant 0 : i32
    %c0_i32_0 = arith.constant 0 : i32
    return %arg0, %c0_i32 : i32, i32
  }
  func.func @transform_5(%arg0: i32) -> (i32, i32) {
    %c0_i32 = arith.constant 0 : i32
    %c0_i32_0 = arith.constant 0 : i32
    %c0_i32_1 = arith.constant 0 : i32
    return %c0_i32, %c0_i32_0 : i32, i32
  }
  func.func @transform_6(%arg0: i32) -> (i32, i32) {
    %c0_i32 = arith.constant 0 : i32
    %c0_i32_0 = arith.constant 0 : i32
    %c0_i32_1 = arith.constant 0 : i32
    return %c0_i32, %c0_i32_0 : i32, i32
  }
  func.func @transform_7(%arg0: i32) -> (i32, i32) {
    %c0_i32 = arith.constant 0 : i32
    %c0_i32_0 = arith.constant 0 : i32
    return %arg0, %c0_i32 : i32, i32
  }
}

module attributes {stable_mosaic.version = 14 : i64} {
  func.func @_tc3_body(%arg0: i32, %arg1: memref<32x1024xf32, #tpu.memory_space<vmem>>, %arg2: memref<1024x64xf32, #tpu.memory_space<vmem>>, %arg3: memref<1024x64xf32, #tpu.memory_space<vmem>>, %arg4: memref<1024x64xf32, #tpu.memory_space<vmem>>, %arg5: memref<8x64xf32, #tpu.memory_space<vmem>>, %arg6: memref<1024x64xf32, #tpu.memory_space<vmem>>) attributes {dimension_semantics = [#tpu.dimension_semantics<arbitrary>], iteration_bounds = array<i64: 10>, scalar_prefetch = 0 : i64, scratch_operands = 0 : i64, tpu.core_type = #tpu.core_type<tc>, window_params = [{transform_indices = @transform_0, window_bounds = array<i64: 32, 1024>}, {transform_indices = @transform_1, window_bounds = array<i64: 1024, 64>}, {transform_indices = @transform_2, window_bounds = array<i64: 1024, 64>}, {transform_indices = @transform_3, window_bounds = array<i64: 1024, 64>}, {pipeline_mode = #tpu.pipeline_mode<synchronous>, transform_indices = @transform_4, window_bounds = array<i64: 8, 64>}, {transform_indices = @transform_5, window_bounds = array<i64: 1024, 64>}]} {
    %get3A = arith.constant 0 : index
    %get3A_0 = arith.constant 0 : index
    %get3A_1 = vector.load %arg1[%get3A, %get3A_0] : memref<32x1024xf32, #tpu.memory_space<vmem>>, vector<32x1024xf32>
    %reduce_sum3A = arith.constant dense<0.000000e+00> : vector<1024xf32>
    %reduce_sum3A_2 = vector.multi_reduction <add>, %get3A_1, %reduce_sum3A [0] : vector<32x1024xf32> to vector<1024xf32>
    %add3A = arith.constant 1.000000e+00 : f32
    %add3A_3 = vector.broadcast %add3A : f32 to vector<1024xf32>
    %add3A_4 = arith.addf %reduce_sum3A_2, %add3A_3 : vector<1024xf32>
    %max3A = arith.constant 1.000000e+00 : f32
    %max3A_5 = vector.broadcast %max3A : f32 to vector<1024xf32>
    %max3A_6 = arith.maximumf %add3A_4, %max3A_5 : vector<1024xf32>
    %rsqrt3A = math.rsqrt %max3A_6 : vector<1024xf32>
    %get3A_7 = arith.constant 0 : index
    %get3A_8 = arith.constant 0 : index
    %get3A_9 = vector.load %arg2[%get3A_7, %get3A_8] : memref<1024x64xf32, #tpu.memory_space<vmem>>, vector<1024x64xf32>
    %get3A_10 = arith.constant 0 : index
    %get3A_11 = arith.constant 0 : index
    %get3A_12 = vector.load %arg3[%get3A_10, %get3A_11] : memref<1024x64xf32, #tpu.memory_space<vmem>>, vector<1024x64xf32>
    %add3A_13 = arith.addf %get3A_9, %get3A_12 : vector<1024x64xf32>
    %get3A_14 = arith.constant 0 : index
    %get3A_15 = arith.constant 0 : index
    %get3A_16 = vector.load %arg4[%get3A_14, %get3A_15] : memref<1024x64xf32, #tpu.memory_space<vmem>>, vector<1024x64xf32>
    %add3A_17 = arith.addf %add3A_13, %get3A_16 : vector<1024x64xf32>
    %broadcast_in_dim3A = vector.shape_cast %rsqrt3A : vector<1024xf32> to vector<1024x1xf32>
    %mul3A = vector.broadcast %broadcast_in_dim3A : vector<1024x1xf32> to vector<1024x64xf32>
    %mul3A_18 = arith.mulf %mul3A, %add3A_17 : vector<1024x64xf32>
    %get3A_19 = arith.constant 0 : index
    %get3A_20 = arith.constant 0 : index
    %get3A_21 = vector.load %arg5[%get3A_19, %get3A_20] : memref<8x64xf32, #tpu.memory_space<vmem>>, vector<8x64xf32>
    %slice3A = vector.extract_strided_slice %get3A_21 {offsets = [0, 0], sizes = [1, 64], strides = [1, 1]} : vector<8x64xf32> to vector<1x64xf32>
    %squeeze3A = vector.shape_cast %slice3A : vector<1x64xf32> to vector<64xf32>
    %broadcast_in_dim3A_22 = vector.shape_cast %squeeze3A : vector<64xf32> to vector<1x64xf32>
    %add3A_23 = vector.broadcast %broadcast_in_dim3A_22 : vector<1x64xf32> to vector<1024x64xf32>
    %add3A_24 = arith.addf %mul3A_18, %add3A_23 : vector<1024x64xf32>
    %swap3A = arith.constant 0 : index
    %swap3A_25 = arith.constant 0 : index
    %swap3A_26 = vector.load %arg6[%swap3A, %swap3A_25] : memref<1024x64xf32, #tpu.memory_space<vmem>>, vector<1024x64xf32>
    tpu.vector_store %arg6[%swap3A, %swap3A_25], %add3A_24 {strides = array<i32>} : memref<1024x64xf32, #tpu.memory_space<vmem>>, vector<1024x64xf32>,
    return
  }
  func.func @transform_0(%arg0: i32) -> (i32, i32) {
    %c0_i32 = arith.constant 0 : i32
    %c0_i32_0 = arith.constant 0 : i32
    return %c0_i32, %arg0 : i32, i32
  }
  func.func @transform_1(%arg0: i32) -> (i32, i32) {
    %c0_i32 = arith.constant 0 : i32
    %c0_i32_0 = arith.constant 0 : i32
    return %arg0, %c0_i32 : i32, i32
  }
  func.func @transform_2(%arg0: i32) -> (i32, i32) {
    %c0_i32 = arith.constant 0 : i32
    %c0_i32_0 = arith.constant 0 : i32
    return %arg0, %c0_i32 : i32, i32
  }
  func.func @transform_3(%arg0: i32) -> (i32, i32) {
    %c0_i32 = arith.constant 0 : i32
    %c0_i32_0 = arith.constant 0 : i32
    return %arg0, %c0_i32 : i32, i32
  }
  func.func @transform_4(%arg0: i32) -> (i32, i32) {
    %c0_i32 = arith.constant 0 : i32
    %c0_i32_0 = arith.constant 0 : i32
    %c0_i32_1 = arith.constant 0 : i32
    return %c0_i32, %c0_i32_0 : i32, i32
  }
  func.func @transform_5(%arg0: i32) -> (i32, i32) {
    %c0_i32 = arith.constant 0 : i32
    %c0_i32_0 = arith.constant 0 : i32
    return %arg0, %c0_i32 : i32, i32
  }
}

</mosaic_0001>

<sc_bundles>
// kernel: kernel.11.cloned.1.call-start
scs
__scs_entry_jumppad:
0x0: {  	(pc) =	sbr.rel $0x88, $3  }
0x1: {  	(tag) =	ssettag $0x0;
	lr =	simm.s32 $0x1  }
0x2: {  	[smem:$0x3F9B] =	sst lr;
	_ =	strace $0xD0000000  }
0x3: {  	_ = 	snop  }
0x4: {  	_ = 	snop  }
0x5: {  	_ = 	snop  }
0x6: {  	_ = 	snop  }
0x7: {  	_ = 	snop  }
__scs_overlays_trampoline_lowered:
0x8: {  	[smem:$0x3FAA] =	sst s0  }
0x9: {  	[smem:$0x3FAB] =	sst s1  }
0xa: {  	[smem:$0x3FAC] =	sst s2  }
0xb: {  	[smem:$0x3FAD] =	sst s3  }
0xc: {  	[smem:$0x3FAE] =	sst s4  }
0xd: {  	[smem:$0x3FAF] =	sst s5  }
0xe: {  	[smem:$0x3FB0] =	sst s6  }
0xf: {  	[smem:$0x3FB1] =	sst s7  }
0x10: {  	[smem:$0x3FB2] =	sst s8  }
0x11: {  	[smem:$0x3FB3] =	sst s9;
	s0 =	simm.s32 @!p0 $0x0  }
0x12: {  	s1 =	sld [smem:$0x3F99];
	s0 =	simm.s32 @p0 $0x1  }
0x13: {  	[smem:$0x3FB4] =	sst s0;
	s0 =	simm.s32 @!p1 $0x0  }
0x14: {  	s2 =	sld [smem:$0x3F98];
	s0 =	simm.s32 @p1 $0x1  }
0x15: {  	[smem:$0x3FB5] =	sst s0;
	s0 =	simm.s32 @!p2 $0x0  }
0x16: {  	s3 =	sld [smem:$0x3FDB];
	s0 =	simm.s32 @p2 $0x1  }
0x17: {  	s4 =	simm.s32 $0x1BF5;
	[smem:$0x3FB7] =	sst s0  }
0x18: {  	s0 =	sld [smem:$0x3F9A];
	_ =	swait.ge [sflag:s4], $0x0  }
0x19: {  	s7 =	sld [smem:$0x3F9B]  }
0x1a: {  	s8 =	sadd.s32 $0xFFFFE003, lr  }
0x1b: {  	s9 =	sadd.s32 $0xFFFFFEF7, lr;
	s5 =	simm.s32 $0xFFFFFFFF;
	p2 =	slt.u32 s8, $0xFFFFF086  }
0x1c: {  	p1 =	slt.u32 s9, $0xF7A;
	s5 =	simm.s32 @!p2 $0x0  }
0x1d: {  	s5 =	simm.s32 @p1 $0x1;
	p0 =	seq.s32 s7, s2  }
0x1e: {  	s7 =	smul.u32 @!p0 $0xF7A, s2;
	p2 =	seq.s32 @!p0 s5, $0x0  }
0x1f: {  	s9 =	smul.u32 $0xF7A, s1;
	s8 =	simm.s32 @!p0 $0x1BF5;
	p2 =	por !p2, p0  }
0x20: {  	[sflag:s8] =	ssyncset.s32 @!p0 $0xFFFFF086;
	s6 =	sadd.s32 @!p0 s3, s7;
	s7 =	simm.s32 @!p0 $0x108  }
0x21: {  	s3 =	sadd.s32 s3, s9;
	s6 =	sadd.s32 @!p0 $0x88, s6;
	s7 =	simm.s32 @p2 $0x1082  }
0x22: {  	[simem:s7], [sflag:s8] =	dma.local @!p0 [hbm:s6], $0xF7A  }
0x23: {  	s9 =	sor.u32 $0xD0000000, s2;
	s6 =	simm.s32 $0x108;
	_ =	swait.ge @!p0 [sflag:s8], $0x0  }
0x24: {  	s3 =	sadd.s32 $0x88, s3;
	s6 =	simm.s32 @!p1 $0x1082;
	[sflag:s4] =	ssyncset.s32 $0xFFFFF086  }
0x25: {  	[simem:s6], [sflag:s4] =	dma.local [hbm:s3], $0xF7A  }
0x26: {  	[smem:$0x3F9B] =	sst s1;
	(tag) =	ssettag s2;
	_ =	strace s9  }
0x27: {  	s1 =	sld [smem:$0x3FAB]  }
0x28: {  	s2 =	sld [smem:$0x3FAC]  }
0x29: {  	s4 =	sld [smem:$0x3FAE]  }
0x2a: {  	p0 =	seq.s32 s5, $0x0;
	s5 =	sld [smem:$0x3FAF]  }
0x2b: {  	s6 =	sld [smem:$0x3FB0]  }
0x2c: {  	s7 =	sld [smem:$0x3FB1]  }
0x2d: {  	s3 =	simm.s32 $0x108;
	s8 =	sld [smem:$0x3FB2]  }
0x2e: {  	s3 =	simm.s32 @!p0 $0x1082;
	s9 =	sld [smem:$0x3FB3]  }
0x2f: {  	lr =	sadd.s32 s0, s3;
	s0 =	sld [smem:$0x3FAA]  }
0x30: {  	s3 =	sld [smem:$0x3FAD]  }
0x31: {  	[smem:$0x3FB6] =	sst s10  }
0x32: {  	s10 =	sld [smem:$0x3FB4];
	_ =	sdelay $0x3  }
0x33: {  	p0 =	seq.s32 s10, $0x1;
	s10 =	sld [smem:$0x3FB6];
	_ =	sdelay $0x3  }
0x34: {  	[smem:$0x3FB6] =	sst s10  }
0x35: {  	s10 =	sld [smem:$0x3FB5];
	_ =	sdelay $0x3  }
0x36: {  	p1 =	seq.s32 s10, $0x1;
	s10 =	sld [smem:$0x3FB6];
	_ =	sdelay $0x3  }
0x37: {  	[smem:$0x3FB6] =	sst s10  }
0x38: {  	s10 =	sld [smem:$0x3FB7]  }
0x39: {  	_ = 	snop;
	(pc) =	sbr.ind lr, $3  }
0x3a: {  	_ = 	snop  }
0x3b: {  	_ = 	snop  }
0x3c: {  	p2 =	seq.s32 s10, $0x1;
	s10 =	sld [smem:$0x3FB6]  }
0x3d: {  	_ =	shalt  }
0x3e: {  	_ =	shalt  }
0x3f: {  	_ =	shalt  }
0x40: {  	_ =	shalt  }
0x41: {  	_ =	shalt  }
0x42: {  	_ =	shalt  }
0x43: {  	_ =	shalt  }
0x44: {  	_ =	shalt  }
0x45: {  	_ =	shalt  }
0x46: {  	_ =	shalt  }
0x47: {  	_ =	shalt  }
0x48: {  	_ =	shalt  }
0x49: {  	_ =	shalt  }
0x4a: {  	_ =	shalt  }
0x4b: {  	_ =	shalt  }
0x4c: {  	_ =	shalt  }
0x4d: {  	_ =	shalt  }
0x4e: {  	_ =	shalt  }
0x4f: {  	_ =	shalt  }
0x50: {  	_ =	shalt  }
0x51: {  	_ =	shalt  }
0x52: {  	_ =	shalt  }
0x53: {  	_ =	shalt  }
0x54: {  	_ =	shalt  }
0x55: {  	_ =	shalt  }
0x56: {  	_ =	shalt  }
0x57: {  	_ =	shalt  }
0x58: {  	_ =	shalt  }
0x59: {  	_ =	shalt  }
0x5a: {  	_ =	shalt  }
0x5b: {  	_ =	shalt  }
0x5c: {  	_ =	shalt  }
0x5d: {  	_ =	shalt  }
0x5e: {  	_ =	shalt  }
0x5f: {  	_ =	shalt  }
0x60: {  	_ =	shalt  }
0x61: {  	_ =	shalt  }
0x62: {  	_ =	shalt  }
0x63: {  	_ =	shalt  }
0x64: {  	_ =	shalt  }
0x65: {  	_ =	shalt  }
0x66: {  	_ =	shalt  }
0x67: {  	_ =	shalt  }
0x68: {  	_ =	shalt  }
0x69: {  	_ =	shalt  }
0x6a: {  	_ =	shalt  }
0x6b: {  	_ =	shalt  }
0x6c: {  	_ =	shalt  }
0x6d: {  	_ =	shalt  }
0x6e: {  	_ =	shalt  }
0x6f: {  	_ =	shalt  }
0x70: {  	_ =	shalt  }
0x71: {  	_ =	shalt  }
0x72: {  	_ =	shalt  }
0x73: {  	_ =	shalt  }
0x74: {  	_ =	shalt  }
0x75: {  	_ =	shalt  }
0x76: {  	_ =	shalt  }
0x77: {  	_ =	shalt  }
0x78: {  	_ =	shalt  }
0x79: {  	_ =	shalt  }
0x7a: {  	_ =	shalt  }
0x7b: {  	_ =	shalt  }
0x7c: {  	_ =	shalt  }
0x7d: {  	_ =	shalt  }
0x7e: {  	_ =	shalt  }
0x7f: {  	_ =	shalt  }
0x80: {  	_ =	shalt  }
0x81: {  	_ =	shalt  }
0x82: {  	_ =	shalt  }
0x83: {  	_ =	shalt  }
0x84: {  	_ =	shalt  }
0x85: {  	_ =	shalt  }
0x86: {  	_ =	shalt  }
0x87: {  	_ =	shalt  }
.Lfunc_end0:
.L_simem_size_0:
called_computation.1_lowered:
.L_overlay_start_0:
0x88: {  	s2 =	sld [smem:$0x3FD9]  }
0x89: {  	s3 =	sld [smem:$0x3FFE];
	_ =	sdelay $0x1  }
0x8a: {  	s1 =	srdreg.scid  }
0x8b: {  	s0 =	sand.u32 $0x1, s1  }
0x8c: {  	s16 =	sshll.u32 s0, $0xA;
	s2 =	sadd.s32 s3, s2  }
0x8d: {  	s2 =	sadd.s32 s2, s16  }
0x8e: {  	[smem:$0x3FC2] =	sst s2  }
0x8f: {  	_ = 	snop  }
0x90: {  	(tm) =	ssettm $0x1  }
0x91: {  	s17 =	sld [smem:$0x3FFB];
	_ =	sdelay $0x3  }
0x92: {  	_ =	strace s17  }
0x93: {  	s2 =	sld [smem:$0x3FFC];
	_ =	sdelay $0x3  }
0x94: {  	_ =	strace s2  }
0x95: {  	s2 =	sld [smem:$0x3FFD];
	_ =	sdelay $0x3  }
0x96: {  	_ =	strace s2  }
0x97: {  	_ =	strace $0x8FFFFFFF  }
0x98: {  	s18 =	sld [smem:$0x3FDB];
	_ =	sdelay $0x1  }
0x99: {  	s19 =	simm.s32 $_scs_section_size  }
0x9a: {  	s4 =	simm.s32 $_size__tile_overlayer_lowered;
	s5 =	simm.s32 $_tile_overlayer_lowered  }
0x9b: {  	s22 =	simm.s32 $0x1BFF;
	s21 =	sshll.u32 s5, $0x1;
	s2 =	sadd.s32 s19, s18  }
0x9c: {  	s6 =	simm.s32 $0x0;
	s20 =	sshll.u32 s4, $0x1;
	s4 =	sadd.s32 s21, s2  }
0x9d: {  	[timem:s6], [sflag:s22] =	dma.local [hbm:s4], s20  }
0x9e: {  	_ =	swait.ge [sflag:s22], s20  }
0x9f: {  	s3 =	ssub.s32 $0x0, s20;
	[sflag:s22] =	ssyncset.done $0x0  }
0xa0: {  	[sflag:s22] =	ssyncadd.s32 s3;
	_ =	sdelay $0x1  }
0xa1: {  	s23 =	simm.s32 $0x1B8B  }
0xa2: {  	_ =	swait.ge [sflag:s23], $0x1  }
0xa3: {  	[sflag:s23] =	ssyncset.done $0x0  }
0xa4: {  	s25 =	simm.s32 $0x1B8E;
	s24 =	sld [smem:$0x3FFE];
	[sflag:s23] =	ssyncadd.s32 $0xFFFFFFFF  }
0xa5: {  	s26 =	simm.s32 $execute0_lowered;
	[smem:$0x3FD2] =	sst s25  }
0xa6: {  	s4 =	sshll.u32 s26, $0x1;
	_ =	strace $0x80000049;
	[dreg:$0x1] =	wrdreg $0xFFFFFFFF  }
0xa7: {  	s28 =	simm.s32 $_size_execute0_lowered;
	s2 =	sadd.s32 s2, s4;
	[dreg:$0x0] =	wrdreg $0x0  }
0xa8: {  	s4 =	sshll.u32 s28, $0x1;
	[dreg:$0x2] =	wrdreg s2  }
0xa9: {  	[dreg:$0x3] =	wrdreg s4  }
0xaa: {  	[dreg:$0x4] =	wrdreg $0xC0  }
0xab: {  	_ =	task [dreg:s6], $0x5FFFF  }
0xac: {  	[dreg:$0x1] =	wrdreg $0xFFFFFFFF  }
0xad: {  	[dreg:$0x0] =	wrdreg $0x60  }
0xae: {  	[dreg:$0x2] =	wrdreg s24  }
0xaf: {  	[dreg:$0x3] =	wrdreg $0x90000  }
0xb0: {  	[dreg:$0x4] =	wrdreg $0x9  }
0xb1: {  	_ =	task.clear_ibuf [dreg:s6], $0x5FFFF;
	_ =	strace $0x90000049  }
0xb2: {  	s29 =	simm.s32 $0x9;
	_ =	strace $0x8000004B  }
0xb3: {  	_ =	swait.ge [sflag:s29], $0x1  }
0xb4: {  	[sflag:s29] =	ssyncadd.s32 $0xFFFFFFFF  }
0xb5: {  	_ =	strace $0x9000004B  }
0xb6: {  	_ =	sfence  }
0xb7: {  	s30 =	sld [smem:$0x0];
	_ =	sdelay $0x2  }
0xb8: {  	s31 =	sshll.u32 s1, $0xD;
	s1 =	sshrl.u32 s1, $0x2  }
0xb9: {  	s3 =	sand.u32 $0x4000, s31;
	s1 =	sadd.s32 s1, s30  }
0xba: {  	s0 =	sor.u32 s3, s0;
	s1 =	sshll.u32 s1, $0x11  }
0xbb: {  	s0 =	sor.u32 s1, s0  }
0xbc: {  	s0 =	sadd.s32 $0x8F2B, s0  }
0xbd: {  	[sflag:s0] =	ssyncadd.remote.s32 $0x1  }
0xbe: {  	_ =	sfence.sel $0xFFFF  }
0xbf: {  	[dreg:$0x0] =	wrdreg $0xFFFFFFFF;
	(pc) =	sbr.abs _section_cstart, $3  }
0xc0: {  	[dreg:$0x1] =	wrdreg $0xFFFFFFFF  }
0xc1: {  	_ =	task.clear_ibuf [dreg:s6], $0x2FFFF;
	_ =	strace $0x9FFFFFFF  }
0xc2: {  	(tm) =	ssettm $0x7FFFFFFF  }
0xc3: {  	_ =	shalt  }
tec
execute0_lowered:
.L_overlay_start_1:
0x0: {  	(tag) =	ssettag $0x1  }
0x1: {  	s8 =	rddreg [dreg:$0x0]  }
0x2: {  	s1 =	rddreg [dreg:$0x1]  }
0x3: {  	s0 =	rddreg [dreg:$0x2];
	s3 =	simm.s32 $0x0;
	s2 =	stileid.u32  }
0x4: {  	s9 =	srdreg.scid;
	s17 =	simm.s32 $0x80;
	s18 =	simm.s32 $0x5000  }
0x5: {  	s19 =	simm.s32 $0x1;
	s20 =	simm.s32 $0x0;
	s7 =	smul.u32 $0x500, s2  }
0x6: {  	[smem:$0x7FF] =	sst s3;
	s4 =	sadd.s32 $0x39800, s8;
	s6 =	smul.u32 $0x2800, s2  }
0x7: {  	s5 =	sadd.s32 $0x11800, s8;
	s12 =	sand.u32 $0x1, s9;
	s11 =	smul.u32 $0x50000, s2  }
0x8: {  	s15 =	sshll.u32 s2, $0x6;
	_ =	strace $0x8000004A;
	s9 =	ssub.s32 $0x2, s12  }
0x9: {  	p0 =	seq.s32 s12, $0x1;
	s15 =	sor.u32 $0x1C02, s15;
	s10 =	sadd.s32 s7, s8  }
.Ltmp0:
0xa: {  	s13 =	sadd.s32 s6, s8;
	s7 =	sadd.s32 $0x89800, s8;
	(pc) =	sbr.rel .LBB2_1-.Ltmp0, $4  }
0xb: {  	s14 =	sshrl.u32 s9, $0x1;
	s8 =	sadd.s32 $0xB1800, s8;
	s11 =	sshrl.u32 s11, $0x2  }
0xc: {  	s14 =	ssub.s32 s9, s14;
	s9 =	sadd.s32 $0xC800, s10;
	s10 =	sadd.s32 $0x2800, s10  }
0xd: {  	s16 =	sadd.s32 s11, s1;
	s11 =	sadd.s32 $0x61800, s13;
	s13 =	simm.s32 $0x2  }
0xe: {  	s12 =	smax.u32 s14, $0x1;
	s14 =	simm.s32 $0x2800;
	s16 =	sshrl.u32 s16, $0x3  }
.LBB2_7:
0xf: {  	s21 =	sshra.s32 s21, $0x2;
	[sflag:s13] =	ssyncadd.s32 $0xFFFFC000  }
0x10: {  	[tilespmem:s18], [sflag:$0x1] =	stream.indirect.gather [hbm4b:s5+s17], $0x80, s21, s17, $0xb8;
	[tilespmem:$0x1D000] =	vst v63  }
0x11: {  	_ =	swait.ge [sflag:s19], $0x4000  }
0x12: {  	[sflag:s19] =	ssyncset.done $0x0  }
0x13: {  	s21 =	sadd.s32 $0x2800, s21;
	[sflag:s19] =	ssyncadd.s32 $0xFFFFC000  }
0x14: {  	[spmem:s1] =	stream.indirect.scatter.add.f32 [tilespmem:s18], [sflag:$0x2], $0x80, s21, s17, $0xb8;
	[tilespmem:$0x1D000] =	vst v63  }
0x15: {  	_ =	swait.ge [sflag:s13], $0x4000  }
0x16: {  	[sflag:s13] =	ssyncset.done $0x0  }
0x17: {  	s21 =	smov.u32 s8;
	[sflag:s13] =	ssyncadd.s32 $0xFFFFC000  }
.LBB2_8:
0x18: {  	s20 =	sadd.s32 $0x1, s20  }
0x19: {  	p1 =	sne.s32 s20, s12  }
.Ltmp1:
0x1a: {  	s21 =	sadd.s32 s21, s6;
	[bflag:$0x0] =	sbarrier.arrive $0xFFFF;
	(pc) =	sbr.rel @!p1 .LBB2_9-.Ltmp1, $4  }
0x1b: {  	[hbm:s21], [sflag:s15] =	dma.local [spmem:s16], $0x2800  }
0x1c: {  	_ =	swait.ge [sflag:s13], $0x2800  }
0x1d: {  	[sflag:s13] =	ssyncset.done $0x0  }
0x1e: {  	[sflag:s13] =	ssyncadd.s32 $0xFFFFD800  }
.LBB2_1:
0x1f: {  	[tilespmem:s3], [sflag:$0x2] =	stream.linear.gather [hbm4b:s9+s3], $0x2800, $0x38;
	[tilespmem:$0x1D000] =	vst v63  }
0x20: {  	_ =	swait.ge [sflag:s13], $0x2800  }
0x21: {  	[sflag:s13] =	ssyncset.done $0x0  }
0x22: {  	[sflag:s13] =	ssyncadd.s32 $0xFFFFD800  }
0x23: {  	[tilespmem:s14], [sflag:$0x2] =	stream.linear.gather [hbm4b:s10+s3], $0x2800, $0x38;
	[tilespmem:$0x1D000] =	vst v63  }
0x24: {  	_ =	swait.ge [sflag:s13], $0x2800  }
0x25: {  	[sflag:s13] =	ssyncset.done $0x0  }
0x26: {  	[sflag:s13] =	ssyncadd.s32 $0xFFFFD800  }
0x27: {  	[spmem:s16], [sflag:s15] =	dma.local [hbm:s11], $0x2800  }
.Ltmp2:
0x28: {  	_ =	swait.ge [sflag:s13], $0x2800;
	(pc) =	sbr.rel @!p0 .LBB2_2-.Ltmp2, $4  }
0x29: {  	[sflag:s13] =	ssyncset.done $0x0  }
0x2a: {  	[sflag:s13] =	ssyncadd.s32 $0xFFFFD800  }
0x2b: {  	[bflag:$0x0] =	sbarrier.arrive $0xFFFF  }
0x2c: {  	s21 =	simm.s32 $0x0  }
0x2d: {  	[tilespmem:s18], [sflag:$0x1] =	stream.indirect.gather [hbm4b:s5+s17], $0x80, s21, s17, $0xb8;
	[tilespmem:$0x1D000] =	vst v63  }
0x2e: {  	_ =	swait.ge [sflag:s19], $0x4000  }
0x2f: {  	[sflag:s19] =	ssyncset.done $0x0  }
0x30: {  	s31 =	simm.s32 $0x2800;
	[sflag:s19] =	ssyncadd.s32 $0xFFFFC000  }
0x31: {  	[spmem:s1] =	stream.indirect.scatter.add.f32 [tilespmem:s18], [sflag:$0x2], $0x80, s31, s17, $0xb8;
	[tilespmem:$0x1D000] =	vst v63  }
0x32: {  	_ =	swait.ge [sflag:s13], $0x4000  }
0x33: {  	s21 =	simm.s32 $0x200;
	s22 =	simm.s32 $0x400;
	[sflag:s13] =	ssyncset.done $0x0  }
.LBB2_6:
0x34: {  	s23 =	sshra.s32 s21, $0x2  }
0x35: {  	[sflag:s13] =	ssyncadd.s32 $0xFFFFC000;
	s21 =	smov.u32 s22;
	s24 =	sadd.s32 $0x200, s22  }
0x36: {  	[tilespmem:s18], [sflag:$0x1] =	stream.indirect.gather [hbm4b:s5+s17], $0x80, s23, s17, $0xb8;
	[tilespmem:$0x1D000] =	vst v63  }
0x37: {  	p1 =	sne.s32 s22, $0x9E00;
	_ =	swait.ge [sflag:s19], $0x4000  }
.Ltmp3:
0x38: {  	[sflag:s19] =	ssyncset.done $0x0;
	(pc) =	sbr.rel @p1 .LBB2_6-.Ltmp3, $4  }
0x39: {  	s22 =	sadd.s32 $0x2800, s23;
	[sflag:s19] =	ssyncadd.s32 $0xFFFFC000  }
0x3a: {  	[spmem:s1] =	stream.indirect.scatter.add.f32 [tilespmem:s18], [sflag:$0x2], $0x80, s22, s17, $0xb8;
	[tilespmem:$0x1D000] =	vst v63  }
0x3b: {  	_ =	swait.ge [sflag:s13], $0x4000  }
0x3c: {  	s22 =	smov.u32 s24;
	[sflag:s13] =	ssyncset.done $0x0  }
.Ltmp4:
0x3d: {  	_ = 	snop;
	(pc) =	sbr.rel .LBB2_7-.Ltmp4, $1  }
0x3e: {  	_ =	sdelay $0x3  }
.LBB2_2:
0x3f: {  	[tilespmem:s18], [sflag:$0x1] =	stream.indirect.gather [hbm4b:s4+s17], $0x80, s21, s17, $0xb8;
	[tilespmem:$0x1D000] =	vst v63  }
0x40: {  	_ =	swait.ge [sflag:s19], $0x4000  }
0x41: {  	[sflag:s19] =	ssyncset.done $0x0  }
0x42: {  	s31 =	simm.s32 $0x2800;
	[sflag:s19] =	ssyncadd.s32 $0xFFFFC000  }
0x43: {  	[spmem:s1] =	stream.indirect.scatter.add.f32 [tilespmem:s18], [sflag:$0x2], $0x80, s31, s17, $0xb8;
	[tilespmem:$0x1D000] =	vst v63  }
0x44: {  	_ =	swait.ge [sflag:s13], $0x4000  }
0x45: {  	s21 =	simm.s32 $0x200;
	s22 =	simm.s32 $0x400;
	[sflag:s13] =	ssyncset.done $0x0  }
.LBB2_3:
0x46: {  	s23 =	sshra.s32 s21, $0x2  }
0x47: {  	[sflag:s13] =	ssyncadd.s32 $0xFFFFC000;
	s21 =	smov.u32 s22;
	s24 =	sadd.s32 $0x200, s22  }
0x48: {  	[tilespmem:s18], [sflag:$0x1] =	stream.indirect.gather [hbm4b:s4+s17], $0x80, s23, s17, $0xb8;
	[tilespmem:$0x1D000] =	vst v63  }
0x49: {  	p1 =	seq.s32 s22, $0x9E00;
	_ =	swait.ge [sflag:s19], $0x4000  }
.Ltmp5:
0x4a: {  	[sflag:s19] =	ssyncset.done $0x0;
	(pc) =	sbr.rel @!p1 .LBB2_3-.Ltmp5, $4  }
0x4b: {  	s22 =	sadd.s32 $0x2800, s23;
	[sflag:s19] =	ssyncadd.s32 $0xFFFFC000  }
0x4c: {  	[spmem:s1] =	stream.indirect.scatter.add.f32 [tilespmem:s18], [sflag:$0x2], $0x80, s22, s17, $0xb8;
	[tilespmem:$0x1D000] =	vst v63  }
0x4d: {  	_ =	swait.ge [sflag:s13], $0x4000  }
0x4e: {  	s22 =	smov.u32 s24;
	[sflag:s13] =	ssyncset.done $0x0  }
0x4f: {  	s21 =	sshra.s32 s21, $0x2;
	[sflag:s13] =	ssyncadd.s32 $0xFFFFC000  }
0x50: {  	[tilespmem:s18], [sflag:$0x1] =	stream.indirect.gather [hbm4b:s4+s17], $0x80, s21, s17, $0xb8;
	[tilespmem:$0x1D000] =	vst v63  }
0x51: {  	_ =	swait.ge [sflag:s19], $0x4000  }
0x52: {  	[sflag:s19] =	ssyncset.done $0x0  }
.Ltmp6:
0x53: {  	s21 =	sadd.s32 $0x2800, s21;
	[sflag:s19] =	ssyncadd.s32 $0xFFFFC000;
	(pc) =	sbr.rel .LBB2_8-.Ltmp6, $4  }
0x54: {  	[spmem:s1] =	stream.indirect.scatter.add.f32 [tilespmem:s18], [sflag:$0x2], $0x80, s21, s17, $0xb8;
	[tilespmem:$0x1D000] =	vst v63  }
0x55: {  	_ =	swait.ge [sflag:s13], $0x4000  }
0x56: {  	[sflag:s13] =	ssyncset.done $0x0  }
0x57: {  	s21 =	smov.u32 s7;
	[sflag:s13] =	ssyncadd.s32 $0xFFFFC000  }
.LBB2_9:
0x58: {  	_ =	sfence.sel $0x180000  }
0x59: {  	[bflag:$0x0] =	sbarrier.arrive $0xFFFF  }
0x5a: {  	p0 =	sne.s32 s2, $0x0;
	_ =	strace $0x9000004A  }
0x5b: {  	s0 =	sadd.s32 @!p0 $0x100000, s0;
	[bflag:$0x2] =	sbarrier.arrive $0xFFFF  }
0x5c: {  	[sflag:s0] =	ssyncadd.tile.s32 @!p0 $0x1;
	_ =	shalt  }
.Lfunc_end2:
_tile_overlayer_lowered:
.L_overlay_start_2:
0x5d: {  	(tag) =	ssettag $0x2  }
0x5e: {  	s0 =	rddreg [dreg:$0x0];
	s2 =	stileid.u32  }
0x5f: {  	s1 =	rddreg [dreg:$0x1];
	p0 =	sne.s32 s2, $0x0  }
0x60: {  	s3 =	rddreg [dreg:$0x2];
	[bflag:$0x3] =	sbarrier.arrive $0xFFFF;
	s2 =	simm.s32 @!p0 $0x1C02  }
0x61: {  	[timem:s3], [sflag:s2] =	dma.local @!p0 [hbm:s0], s1  }
0x62: {  	s0 =	simm.s32 @!p0 $0x2  }
0x63: {  	_ =	swait.ge @!p0 [sflag:s0], s1  }
0x64: {  	s1 =	ssub.s32 @!p0 $0x0, s1;
	[sflag:s0] =	ssyncset.done @!p0 $0x0  }
0x65: {  	[sflag:s0] =	ssyncadd.s32 @!p0 s1  }
0x66: {  	[bflag:$0x3] =	sbarrier.arrive $0xFFFF  }
0x67: {  	_ =	shalt  }

// kernel: kernel.14.cloned.1.call-start
scs
__scs_entry_jumppad:
0x0: {  	(pc) =	sbr.rel $0x88, $3  }
0x1: {  	(tag) =	ssettag $0x0;
	lr =	simm.s32 $0x1  }
0x2: {  	[smem:$0x3F9B] =	sst lr;
	_ =	strace $0xD0000000  }
0x3: {  	_ = 	snop  }
0x4: {  	_ = 	snop  }
0x5: {  	_ = 	snop  }
0x6: {  	_ = 	snop  }
0x7: {  	_ = 	snop  }
__scs_overlays_trampoline_lowered:
0x8: {  	[smem:$0x3FAA] =	sst s0  }
0x9: {  	[smem:$0x3FAB] =	sst s1  }
0xa: {  	[smem:$0x3FAC] =	sst s2  }
0xb: {  	[smem:$0x3FAD] =	sst s3  }
0xc: {  	[smem:$0x3FAE] =	sst s4  }
0xd: {  	[smem:$0x3FAF] =	sst s5  }
0xe: {  	[smem:$0x3FB0] =	sst s6  }
0xf: {  	[smem:$0x3FB1] =	sst s7  }
0x10: {  	[smem:$0x3FB2] =	sst s8  }
0x11: {  	[smem:$0x3FB3] =	sst s9;
	s0 =	simm.s32 @!p0 $0x0  }
0x12: {  	s1 =	sld [smem:$0x3F99];
	s0 =	simm.s32 @p0 $0x1  }
0x13: {  	[smem:$0x3FB4] =	sst s0;
	s0 =	simm.s32 @!p1 $0x0  }
0x14: {  	s2 =	sld [smem:$0x3F98];
	s0 =	simm.s32 @p1 $0x1  }
0x15: {  	[smem:$0x3FB5] =	sst s0;
	s0 =	simm.s32 @!p2 $0x0  }
0x16: {  	s3 =	sld [smem:$0x3FDB];
	s0 =	simm.s32 @p2 $0x1  }
0x17: {  	s4 =	simm.s32 $0x1BF5;
	[smem:$0x3FB7] =	sst s0  }
0x18: {  	s0 =	sld [smem:$0x3F9A];
	_ =	swait.ge [sflag:s4], $0x0  }
0x19: {  	s7 =	sld [smem:$0x3F9B]  }
0x1a: {  	s8 =	sadd.s32 $0xFFFFE003, lr  }
0x1b: {  	s9 =	sadd.s32 $0xFFFFFEF7, lr;
	s5 =	simm.s32 $0xFFFFFFFF;
	p2 =	slt.u32 s8, $0xFFFFF086  }
0x1c: {  	p1 =	slt.u32 s9, $0xF7A;
	s5 =	simm.s32 @!p2 $0x0  }
0x1d: {  	s5 =	simm.s32 @p1 $0x1;
	p0 =	seq.s32 s7, s2  }
0x1e: {  	s7 =	smul.u32 @!p0 $0xF7A, s2;
	p2 =	seq.s32 @!p0 s5, $0x0  }
0x1f: {  	s9 =	smul.u32 $0xF7A, s1;
	s8 =	simm.s32 @!p0 $0x1BF5;
	p2 =	por !p2, p0  }
0x20: {  	[sflag:s8] =	ssyncset.s32 @!p0 $0xFFFFF086;
	s6 =	sadd.s32 @!p0 s3, s7;
	s7 =	simm.s32 @!p0 $0x108  }
0x21: {  	s3 =	sadd.s32 s3, s9;
	s6 =	sadd.s32 @!p0 $0x88, s6;
	s7 =	simm.s32 @p2 $0x1082  }
0x22: {  	[simem:s7], [sflag:s8] =	dma.local @!p0 [hbm:s6], $0xF7A  }
0x23: {  	s9 =	sor.u32 $0xD0000000, s2;
	s6 =	simm.s32 $0x108;
	_ =	swait.ge @!p0 [sflag:s8], $0x0  }
0x24: {  	s3 =	sadd.s32 $0x88, s3;
	s6 =	simm.s32 @!p1 $0x1082;
	[sflag:s4] =	ssyncset.s32 $0xFFFFF086  }
0x25: {  	[simem:s6], [sflag:s4] =	dma.local [hbm:s3], $0xF7A  }
0x26: {  	[smem:$0x3F9B] =	sst s1;
	(tag) =	ssettag s2;
	_ =	strace s9  }
0x27: {  	s1 =	sld [smem:$0x3FAB]  }
0x28: {  	s2 =	sld [smem:$0x3FAC]  }
0x29: {  	s4 =	sld [smem:$0x3FAE]  }
0x2a: {  	p0 =	seq.s32 s5, $0x0;
	s5 =	sld [smem:$0x3FAF]  }
0x2b: {  	s6 =	sld [smem:$0x3FB0]  }
0x2c: {  	s7 =	sld [smem:$0x3FB1]  }
0x2d: {  	s3 =	simm.s32 $0x108;
	s8 =	sld [smem:$0x3FB2]  }
0x2e: {  	s3 =	simm.s32 @!p0 $0x1082;
	s9 =	sld [smem:$0x3FB3]  }
0x2f: {  	lr =	sadd.s32 s0, s3;
	s0 =	sld [smem:$0x3FAA]  }
0x30: {  	s3 =	sld [smem:$0x3FAD]  }
0x31: {  	[smem:$0x3FB6] =	sst s10  }
0x32: {  	s10 =	sld [smem:$0x3FB4];
	_ =	sdelay $0x3  }
0x33: {  	p0 =	seq.s32 s10, $0x1;
	s10 =	sld [smem:$0x3FB6];
	_ =	sdelay $0x3  }
0x34: {  	[smem:$0x3FB6] =	sst s10  }
0x35: {  	s10 =	sld [smem:$0x3FB5];
	_ =	sdelay $0x3  }
0x36: {  	p1 =	seq.s32 s10, $0x1;
	s10 =	sld [smem:$0x3FB6];
	_ =	sdelay $0x3  }
0x37: {  	[smem:$0x3FB6] =	sst s10  }
0x38: {  	s10 =	sld [smem:$0x3FB7]  }
0x39: {  	_ = 	snop;
	(pc) =	sbr.ind lr, $3  }
0x3a: {  	_ = 	snop  }
0x3b: {  	_ = 	snop  }
0x3c: {  	p2 =	seq.s32 s10, $0x1;
	s10 =	sld [smem:$0x3FB6]  }
0x3d: {  	_ =	shalt  }
0x3e: {  	_ =	shalt  }
0x3f: {  	_ =	shalt  }
0x40: {  	_ =	shalt  }
0x41: {  	_ =	shalt  }
0x42: {  	_ =	shalt  }
0x43: {  	_ =	shalt  }
0x44: {  	_ =	shalt  }
0x45: {  	_ =	shalt  }
0x46: {  	_ =	shalt  }
0x47: {  	_ =	shalt  }
0x48: {  	_ =	shalt  }
0x49: {  	_ =	shalt  }
0x4a: {  	_ =	shalt  }
0x4b: {  	_ =	shalt  }
0x4c: {  	_ =	shalt  }
0x4d: {  	_ =	shalt  }
0x4e: {  	_ =	shalt  }
0x4f: {  	_ =	shalt  }
0x50: {  	_ =	shalt  }
0x51: {  	_ =	shalt  }
0x52: {  	_ =	shalt  }
0x53: {  	_ =	shalt  }
0x54: {  	_ =	shalt  }
0x55: {  	_ =	shalt  }
0x56: {  	_ =	shalt  }
0x57: {  	_ =	shalt  }
0x58: {  	_ =	shalt  }
0x59: {  	_ =	shalt  }
0x5a: {  	_ =	shalt  }
0x5b: {  	_ =	shalt  }
0x5c: {  	_ =	shalt  }
0x5d: {  	_ =	shalt  }
0x5e: {  	_ =	shalt  }
0x5f: {  	_ =	shalt  }
0x60: {  	_ =	shalt  }
0x61: {  	_ =	shalt  }
0x62: {  	_ =	shalt  }
0x63: {  	_ =	shalt  }
0x64: {  	_ =	shalt  }
0x65: {  	_ =	shalt  }
0x66: {  	_ =	shalt  }
0x67: {  	_ =	shalt  }
0x68: {  	_ =	shalt  }
0x69: {  	_ =	shalt  }
0x6a: {  	_ =	shalt  }
0x6b: {  	_ =	shalt  }
0x6c: {  	_ =	shalt  }
0x6d: {  	_ =	shalt  }
0x6e: {  	_ =	shalt  }
0x6f: {  	_ =	shalt  }
0x70: {  	_ =	shalt  }
0x71: {  	_ =	shalt  }
0x72: {  	_ =	shalt  }
0x73: {  	_ =	shalt  }
0x74: {  	_ =	shalt  }
0x75: {  	_ =	shalt  }
0x76: {  	_ =	shalt  }
0x77: {  	_ =	shalt  }
0x78: {  	_ =	shalt  }
0x79: {  	_ =	shalt  }
0x7a: {  	_ =	shalt  }
0x7b: {  	_ =	shalt  }
0x7c: {  	_ =	shalt  }
0x7d: {  	_ =	shalt  }
0x7e: {  	_ =	shalt  }
0x7f: {  	_ =	shalt  }
0x80: {  	_ =	shalt  }
0x81: {  	_ =	shalt  }
0x82: {  	_ =	shalt  }
0x83: {  	_ =	shalt  }
0x84: {  	_ =	shalt  }
0x85: {  	_ =	shalt  }
0x86: {  	_ =	shalt  }
0x87: {  	_ =	shalt  }
.Lfunc_end0:
.L_simem_size_0:
called_computation.2_lowered:
.L_overlay_start_0:
0x88: {  	s2 =	sld [smem:$0x3FD9]  }
0x89: {  	s3 =	sld [smem:$0x3FFE];
	_ =	sdelay $0x1  }
0x8a: {  	s1 =	srdreg.scid  }
0x8b: {  	s0 =	sand.u32 $0x1, s1  }
0x8c: {  	s16 =	sshll.u32 s0, $0xA;
	s2 =	sadd.s32 s3, s2  }
0x8d: {  	s2 =	sadd.s32 s2, s16  }
0x8e: {  	[smem:$0x3FC2] =	sst s2  }
0x8f: {  	_ = 	snop  }
0x90: {  	(tm) =	ssettm $0x1  }
0x91: {  	s17 =	sld [smem:$0x3FFB];
	_ =	sdelay $0x3  }
0x92: {  	_ =	strace s17  }
0x93: {  	s2 =	sld [smem:$0x3FFC];
	_ =	sdelay $0x3  }
0x94: {  	_ =	strace s2  }
0x95: {  	s2 =	sld [smem:$0x3FFD];
	_ =	sdelay $0x3  }
0x96: {  	_ =	strace s2  }
0x97: {  	_ =	strace $0x8FFFFFFF  }
0x98: {  	s18 =	sld [smem:$0x3FDB];
	_ =	sdelay $0x1  }
0x99: {  	s19 =	simm.s32 $_scs_section_size  }
0x9a: {  	s4 =	simm.s32 $_size__tile_overlayer_lowered;
	s5 =	simm.s32 $_tile_overlayer_lowered  }
0x9b: {  	s22 =	simm.s32 $0x1BFF;
	s21 =	sshll.u32 s5, $0x1;
	s2 =	sadd.s32 s19, s18  }
0x9c: {  	s6 =	simm.s32 $0x0;
	s20 =	sshll.u32 s4, $0x1;
	s4 =	sadd.s32 s21, s2  }
0x9d: {  	[timem:s6], [sflag:s22] =	dma.local [hbm:s4], s20  }
0x9e: {  	_ =	swait.ge [sflag:s22], s20  }
0x9f: {  	s3 =	ssub.s32 $0x0, s20;
	[sflag:s22] =	ssyncset.done $0x0  }
0xa0: {  	[sflag:s22] =	ssyncadd.s32 s3;
	_ =	sdelay $0x1  }
0xa1: {  	s23 =	simm.s32 $0x1B8B  }
0xa2: {  	_ =	swait.ge [sflag:s23], $0x1  }
0xa3: {  	[sflag:s23] =	ssyncset.done $0x0  }
0xa4: {  	s25 =	simm.s32 $0x1B8E;
	s24 =	sld [smem:$0x3FFE];
	[sflag:s23] =	ssyncadd.s32 $0xFFFFFFFF  }
0xa5: {  	s26 =	simm.s32 $execute0_lowered;
	[smem:$0x3FD2] =	sst s25  }
0xa6: {  	s4 =	sshll.u32 s26, $0x1;
	_ =	strace $0x8000004C;
	[dreg:$0x1] =	wrdreg $0xFFFFFFFF  }
0xa7: {  	s28 =	simm.s32 $_size_execute0_lowered;
	s2 =	sadd.s32 s2, s4;
	[dreg:$0x0] =	wrdreg $0x0  }
0xa8: {  	s4 =	sshll.u32 s28, $0x1;
	[dreg:$0x2] =	wrdreg s2  }
0xa9: {  	[dreg:$0x3] =	wrdreg s4  }
0xaa: {  	[dreg:$0x4] =	wrdreg $0xC0  }
0xab: {  	_ =	task [dreg:s6], $0x5FFFF  }
0xac: {  	[dreg:$0x1] =	wrdreg $0xFFFFFFFF  }
0xad: {  	[dreg:$0x0] =	wrdreg $0x60  }
0xae: {  	[dreg:$0x2] =	wrdreg s24  }
0xaf: {  	[dreg:$0x3] =	wrdreg $0x48000  }
0xb0: {  	[dreg:$0x4] =	wrdreg $0x9  }
0xb1: {  	_ =	task.clear_ibuf [dreg:s6], $0x5FFFF;
	_ =	strace $0x9000004C  }
0xb2: {  	s29 =	simm.s32 $0x9;
	_ =	strace $0x8000004E  }
0xb3: {  	_ =	swait.ge [sflag:s29], $0x1  }
0xb4: {  	[sflag:s29] =	ssyncadd.s32 $0xFFFFFFFF  }
0xb5: {  	_ =	strace $0x9000004E  }
0xb6: {  	_ =	sfence  }
0xb7: {  	s30 =	sld [smem:$0x0];
	_ =	sdelay $0x2  }
0xb8: {  	s31 =	sshll.u32 s1, $0xD;
	s1 =	sshrl.u32 s1, $0x2  }
0xb9: {  	s3 =	sand.u32 $0x4000, s31;
	s1 =	sadd.s32 s1, s30  }
0xba: {  	s0 =	sor.u32 s3, s0;
	s1 =	sshll.u32 s1, $0x11  }
0xbb: {  	s0 =	sor.u32 s1, s0  }
0xbc: {  	s0 =	sadd.s32 $0x8F2B, s0  }
0xbd: {  	[sflag:s0] =	ssyncadd.remote.s32 $0x1  }
0xbe: {  	_ =	sfence.sel $0xFFFF  }
0xbf: {  	[dreg:$0x0] =	wrdreg $0xFFFFFFFF;
	(pc) =	sbr.abs _section_cstart, $3  }
0xc0: {  	[dreg:$0x1] =	wrdreg $0xFFFFFFFF  }
0xc1: {  	_ =	task.clear_ibuf [dreg:s6], $0x2FFFF;
	_ =	strace $0x9FFFFFFF  }
0xc2: {  	(tm) =	ssettm $0x7FFFFFFF  }
0xc3: {  	_ =	shalt  }
tec
execute0_lowered:
.L_overlay_start_1:
0x0: {  	(tag) =	ssettag $0x1  }
0x1: {  	s5 =	rddreg [dreg:$0x0]  }
0x2: {  	s1 =	rddreg [dreg:$0x1]  }
0x3: {  	s2 =	srdreg.scid;
	s0 =	rddreg [dreg:$0x2];
	s3 =	simm.s32 $0x0  }
0x4: {  	s14 =	simm.s32 $0x80;
	s15 =	simm.s32 $0x2800;
	s16 =	simm.s32 $0x1  }
0x5: {  	s17 =	simm.s32 $0x0;
	s6 =	sand.u32 $0x1, s2;
	s2 =	stileid.u32  }
0x6: {  	[smem:$0x7FF] =	sst s3;
	s4 =	sshll.u32 s6, $0x4;
	s7 =	smul.u32 $0xA000, s2  }
0x7: {  	_ =	strace $0x8000004D;
	s9 =	ssub.s32 $0x2, s6;
	p0 =	seq.s32 s6, $0x1  }
0x8: {  	s12 =	sshll.u32 s2, $0x6;
	s4 =	sor.u32 s2, s4;
	s11 =	sshrl.u32 s9, $0x1  }
0x9: {  	s12 =	sor.u32 $0x1C02, s12;
	s8 =	smul.u32 $0x280, s4;
	s4 =	sadd.s32 $0x11800, s5  }
0xa: {  	s10 =	sshrl.u32 s7, $0x3;
	s9 =	ssub.s32 s9, s11;
	s11 =	simm.s32 $0x39800  }
0xb: {  	s13 =	sadd.s32 s7, s1;
	s10 =	sadd.s32 s10, s5;
	s11 =	simm.s32 @!p0 $0x4D800  }
0xc: {  	s13 =	sshrl.u32 s13, $0x3;
	s8 =	sadd.s32 s8, s5;
	s7 =	sadd.s32 $0x25800, s10  }
0xd: {  	s5 =	sadd.s32 $0xC800, s8;
	s6 =	sadd.s32 $0x2800, s8;
	s8 =	smax.u32 s9, $0x1  }
0xe: {  	s9 =	sadd.s32 s11, s10;
	s10 =	simm.s32 $0x2;
	s11 =	simm.s32 $0x1400  }
.LBB2_1:
0xf: {  	[tilespmem:s3], [sflag:$0x2] =	stream.linear.gather [hbm4b:s5+s3], $0x1400, $0x38;
	[tilespmem:$0xE800] =	vst v63  }
0x10: {  	_ =	swait.ge [sflag:s10], $0x1400  }
0x11: {  	[sflag:s10] =	ssyncset.done $0x0  }
0x12: {  	[sflag:s10] =	ssyncadd.s32 $0xFFFFEC00  }
0x13: {  	[tilespmem:s11], [sflag:$0x2] =	stream.linear.gather [hbm4b:s6+s3], $0x1400, $0x38;
	[tilespmem:$0xE800] =	vst v63  }
0x14: {  	_ =	swait.ge [sflag:s10], $0x1400  }
0x15: {  	[sflag:s10] =	ssyncset.done $0x0  }
0x16: {  	[sflag:s10] =	ssyncadd.s32 $0xFFFFEC00  }
0x17: {  	[spmem:s13], [sflag:s12] =	dma.local [hbm:s7], $0x1400  }
0x18: {  	_ =	swait.ge [sflag:s10], $0x1400  }
0x19: {  	[sflag:s10] =	ssyncset.done $0x0  }
0x1a: {  	[sflag:s10] =	ssyncadd.s32 $0xFFFFEC00  }
0x1b: {  	s18 =	simm.s32 $0x0;
	[bflag:$0x0] =	sbarrier.arrive $0xFFFF  }
0x1c: {  	[tilespmem:s15], [sflag:$0x1] =	stream.indirect.gather [hbm4b:s4+s14], $0x40, s18, s14, $0xb8;
	[tilespmem:$0xE800] =	vst v63  }
0x1d: {  	_ =	swait.ge [sflag:s16], $0x2000  }
0x1e: {  	[sflag:s16] =	ssyncset.done $0x0  }
0x1f: {  	s31 =	simm.s32 $0x1400;
	[sflag:s16] =	ssyncadd.s32 $0xFFFFE000  }
0x20: {  	[spmem:s1] =	stream.indirect.scatter.add.f32 [tilespmem:s15], [sflag:$0x2], $0x40, s31, s14, $0xb8;
	[tilespmem:$0xE800] =	vst v63  }
0x21: {  	_ =	swait.ge [sflag:s10], $0x2000  }
0x22: {  	s19 =	simm.s32 $0x400;
	s18 =	simm.s32 $0x200;
	[sflag:s10] =	ssyncset.done $0x0  }
.LBB2_2:
0x23: {  	s20 =	sshra.s32 s18, $0x2  }
0x24: {  	[sflag:s10] =	ssyncadd.s32 $0xFFFFE000;
	s18 =	smov.u32 s19;
	s21 =	sadd.s32 $0x200, s19  }
0x25: {  	[tilespmem:s15], [sflag:$0x1] =	stream.indirect.gather [hbm4b:s4+s14], $0x40, s20, s14, $0xb8;
	[tilespmem:$0xE800] =	vst v63  }
0x26: {  	p0 =	sne.s32 s19, $0x4E00;
	_ =	swait.ge [sflag:s16], $0x2000  }
.Ltmp0:
0x27: {  	[sflag:s16] =	ssyncset.done $0x0;
	(pc) =	sbr.rel @p0 .LBB2_2-.Ltmp0, $4  }
0x28: {  	s19 =	sadd.s32 $0x1400, s20;
	[sflag:s16] =	ssyncadd.s32 $0xFFFFE000  }
0x29: {  	[spmem:s1] =	stream.indirect.scatter.add.f32 [tilespmem:s15], [sflag:$0x2], $0x40, s19, s14, $0xb8;
	[tilespmem:$0xE800] =	vst v63  }
0x2a: {  	_ =	swait.ge [sflag:s10], $0x2000  }
0x2b: {  	s19 =	smov.u32 s21;
	[sflag:s10] =	ssyncset.done $0x0  }
0x2c: {  	s18 =	sshra.s32 s18, $0x2;
	[sflag:s10] =	ssyncadd.s32 $0xFFFFE000  }
0x2d: {  	[tilespmem:s15], [sflag:$0x1] =	stream.indirect.gather [hbm4b:s4+s14], $0x40, s18, s14, $0xb8;
	[tilespmem:$0xE800] =	vst v63  }
0x2e: {  	_ =	swait.ge [sflag:s16], $0x2000  }
0x2f: {  	[sflag:s16] =	ssyncset.done $0x0  }
0x30: {  	s18 =	sadd.s32 $0x1400, s18;
	[sflag:s16] =	ssyncadd.s32 $0xFFFFE000  }
0x31: {  	[spmem:s1] =	stream.indirect.scatter.add.f32 [tilespmem:s15], [sflag:$0x2], $0x40, s18, s14, $0xb8;
	[tilespmem:$0xE800] =	vst v63  }
0x32: {  	_ =	swait.ge [sflag:s10], $0x2000  }
0x33: {  	s17 =	sadd.s32 $0x1, s17;
	[sflag:s10] =	ssyncset.done $0x0  }
0x34: {  	p0 =	sne.s32 s17, s8;
	[sflag:s10] =	ssyncadd.s32 $0xFFFFE000  }
.Ltmp1:
0x35: {  	[bflag:$0x0] =	sbarrier.arrive $0xFFFF;
	(pc) =	sbr.rel @p0 .LBB2_1-.Ltmp1, $4  }
0x36: {  	[hbm:s9], [sflag:s12] =	dma.local [spmem:s13], $0x1400  }
0x37: {  	_ =	swait.ge [sflag:s10], $0x1400  }
0x38: {  	[sflag:s10] =	ssyncset.done $0x0  }
0x39: {  	[sflag:s10] =	ssyncadd.s32 $0xFFFFEC00  }
0x3a: {  	_ =	sfence.sel $0x180000  }
0x3b: {  	[bflag:$0x0] =	sbarrier.arrive $0xFFFF  }
0x3c: {  	p0 =	sne.s32 s2, $0x0;
	_ =	strace $0x9000004D  }
0x3d: {  	s0 =	sadd.s32 @!p0 $0x100000, s0;
	[bflag:$0x2] =	sbarrier.arrive $0xFFFF  }
0x3e: {  	[sflag:s0] =	ssyncadd.tile.s32 @!p0 $0x1;
	_ =	shalt  }
.Lfunc_end2:
_tile_overlayer_lowered:
.L_overlay_start_2:
0x3f: {  	(tag) =	ssettag $0x2  }
0x40: {  	s0 =	rddreg [dreg:$0x0];
	s2 =	stileid.u32  }
0x41: {  	s1 =	rddreg [dreg:$0x1];
	p0 =	sne.s32 s2, $0x0  }
0x42: {  	s3 =	rddreg [dreg:$0x2];
	[bflag:$0x3] =	sbarrier.arrive $0xFFFF;
	s2 =	simm.s32 @!p0 $0x1C02  }
0x43: {  	[timem:s3], [sflag:s2] =	dma.local @!p0 [hbm:s0], s1  }
0x44: {  	s0 =	simm.s32 @!p0 $0x2  }
0x45: {  	_ =	swait.ge @!p0 [sflag:s0], s1  }
0x46: {  	s1 =	ssub.s32 @!p0 $0x0, s1;
	[sflag:s0] =	ssyncset.done @!p0 $0x0  }
0x47: {  	[sflag:s0] =	ssyncadd.s32 @!p0 s1  }
0x48: {  	[bflag:$0x3] =	sbarrier.arrive $0xFFFF  }
0x49: {  	_ =	shalt  }

// kernel: kernel.8.cloned.1.call-start
scs
__scs_entry_jumppad:
0x0: {  	(pc) =	sbr.rel $0x88, $3  }
0x1: {  	(tag) =	ssettag $0x0;
	lr =	simm.s32 $0x1  }
0x2: {  	[smem:$0x3F9B] =	sst lr;
	_ =	strace $0xD0000000  }
0x3: {  	_ = 	snop  }
0x4: {  	_ = 	snop  }
0x5: {  	_ = 	snop  }
0x6: {  	_ = 	snop  }
0x7: {  	_ = 	snop  }
__scs_overlays_trampoline_lowered:
0x8: {  	[smem:$0x3FAA] =	sst s0  }
0x9: {  	[smem:$0x3FAB] =	sst s1  }
0xa: {  	[smem:$0x3FAC] =	sst s2  }
0xb: {  	[smem:$0x3FAD] =	sst s3  }
0xc: {  	[smem:$0x3FAE] =	sst s4  }
0xd: {  	[smem:$0x3FAF] =	sst s5  }
0xe: {  	[smem:$0x3FB0] =	sst s6  }
0xf: {  	[smem:$0x3FB1] =	sst s7  }
0x10: {  	[smem:$0x3FB2] =	sst s8  }
0x11: {  	[smem:$0x3FB3] =	sst s9;
	s0 =	simm.s32 @!p0 $0x0  }
0x12: {  	s1 =	sld [smem:$0x3F99];
	s0 =	simm.s32 @p0 $0x1  }
0x13: {  	[smem:$0x3FB4] =	sst s0;
	s0 =	simm.s32 @!p1 $0x0  }
0x14: {  	s2 =	sld [smem:$0x3F98];
	s0 =	simm.s32 @p1 $0x1  }
0x15: {  	[smem:$0x3FB5] =	sst s0;
	s0 =	simm.s32 @!p2 $0x0  }
0x16: {  	s3 =	sld [smem:$0x3FDB];
	s0 =	simm.s32 @p2 $0x1  }
0x17: {  	s4 =	simm.s32 $0x1BF5;
	[smem:$0x3FB7] =	sst s0  }
0x18: {  	s0 =	sld [smem:$0x3F9A];
	_ =	swait.ge [sflag:s4], $0x0  }
0x19: {  	s7 =	sld [smem:$0x3F9B]  }
0x1a: {  	s8 =	sadd.s32 $0xFFFFE003, lr  }
0x1b: {  	s9 =	sadd.s32 $0xFFFFFEF7, lr;
	s5 =	simm.s32 $0xFFFFFFFF;
	p2 =	slt.u32 s8, $0xFFFFF086  }
0x1c: {  	p1 =	slt.u32 s9, $0xF7A;
	s5 =	simm.s32 @!p2 $0x0  }
0x1d: {  	s5 =	simm.s32 @p1 $0x1;
	p0 =	seq.s32 s7, s2  }
0x1e: {  	s7 =	smul.u32 @!p0 $0xF7A, s2;
	p2 =	seq.s32 @!p0 s5, $0x0  }
0x1f: {  	s9 =	smul.u32 $0xF7A, s1;
	s8 =	simm.s32 @!p0 $0x1BF5;
	p2 =	por !p2, p0  }
0x20: {  	[sflag:s8] =	ssyncset.s32 @!p0 $0xFFFFF086;
	s6 =	sadd.s32 @!p0 s3, s7;
	s7 =	simm.s32 @!p0 $0x108  }
0x21: {  	s3 =	sadd.s32 s3, s9;
	s6 =	sadd.s32 @!p0 $0x88, s6;
	s7 =	simm.s32 @p2 $0x1082  }
0x22: {  	[simem:s7], [sflag:s8] =	dma.local @!p0 [hbm:s6], $0xF7A  }
0x23: {  	s9 =	sor.u32 $0xD0000000, s2;
	s6 =	simm.s32 $0x108;
	_ =	swait.ge @!p0 [sflag:s8], $0x0  }
0x24: {  	s3 =	sadd.s32 $0x88, s3;
	s6 =	simm.s32 @!p1 $0x1082;
	[sflag:s4] =	ssyncset.s32 $0xFFFFF086  }
0x25: {  	[simem:s6], [sflag:s4] =	dma.local [hbm:s3], $0xF7A  }
0x26: {  	[smem:$0x3F9B] =	sst s1;
	(tag) =	ssettag s2;
	_ =	strace s9  }
0x27: {  	s1 =	sld [smem:$0x3FAB]  }
0x28: {  	s2 =	sld [smem:$0x3FAC]  }
0x29: {  	s4 =	sld [smem:$0x3FAE]  }
0x2a: {  	p0 =	seq.s32 s5, $0x0;
	s5 =	sld [smem:$0x3FAF]  }
0x2b: {  	s6 =	sld [smem:$0x3FB0]  }
0x2c: {  	s7 =	sld [smem:$0x3FB1]  }
0x2d: {  	s3 =	simm.s32 $0x108;
	s8 =	sld [smem:$0x3FB2]  }
0x2e: {  	s3 =	simm.s32 @!p0 $0x1082;
	s9 =	sld [smem:$0x3FB3]  }
0x2f: {  	lr =	sadd.s32 s0, s3;
	s0 =	sld [smem:$0x3FAA]  }
0x30: {  	s3 =	sld [smem:$0x3FAD]  }
0x31: {  	[smem:$0x3FB6] =	sst s10  }
0x32: {  	s10 =	sld [smem:$0x3FB4];
	_ =	sdelay $0x3  }
0x33: {  	p0 =	seq.s32 s10, $0x1;
	s10 =	sld [smem:$0x3FB6];
	_ =	sdelay $0x3  }
0x34: {  	[smem:$0x3FB6] =	sst s10  }
0x35: {  	s10 =	sld [smem:$0x3FB5];
	_ =	sdelay $0x3  }
0x36: {  	p1 =	seq.s32 s10, $0x1;
	s10 =	sld [smem:$0x3FB6];
	_ =	sdelay $0x3  }
0x37: {  	[smem:$0x3FB6] =	sst s10  }
0x38: {  	s10 =	sld [smem:$0x3FB7]  }
0x39: {  	_ = 	snop;
	(pc) =	sbr.ind lr, $3  }
0x3a: {  	_ = 	snop  }
0x3b: {  	_ = 	snop  }
0x3c: {  	p2 =	seq.s32 s10, $0x1;
	s10 =	sld [smem:$0x3FB6]  }
0x3d: {  	_ =	shalt  }
0x3e: {  	_ =	shalt  }
0x3f: {  	_ =	shalt  }
0x40: {  	_ =	shalt  }
0x41: {  	_ =	shalt  }
0x42: {  	_ =	shalt  }
0x43: {  	_ =	shalt  }
0x44: {  	_ =	shalt  }
0x45: {  	_ =	shalt  }
0x46: {  	_ =	shalt  }
0x47: {  	_ =	shalt  }
0x48: {  	_ =	shalt  }
0x49: {  	_ =	shalt  }
0x4a: {  	_ =	shalt  }
0x4b: {  	_ =	shalt  }
0x4c: {  	_ =	shalt  }
0x4d: {  	_ =	shalt  }
0x4e: {  	_ =	shalt  }
0x4f: {  	_ =	shalt  }
0x50: {  	_ =	shalt  }
0x51: {  	_ =	shalt  }
0x52: {  	_ =	shalt  }
0x53: {  	_ =	shalt  }
0x54: {  	_ =	shalt  }
0x55: {  	_ =	shalt  }
0x56: {  	_ =	shalt  }
0x57: {  	_ =	shalt  }
0x58: {  	_ =	shalt  }
0x59: {  	_ =	shalt  }
0x5a: {  	_ =	shalt  }
0x5b: {  	_ =	shalt  }
0x5c: {  	_ =	shalt  }
0x5d: {  	_ =	shalt  }
0x5e: {  	_ =	shalt  }
0x5f: {  	_ =	shalt  }
0x60: {  	_ =	shalt  }
0x61: {  	_ =	shalt  }
0x62: {  	_ =	shalt  }
0x63: {  	_ =	shalt  }
0x64: {  	_ =	shalt  }
0x65: {  	_ =	shalt  }
0x66: {  	_ =	shalt  }
0x67: {  	_ =	shalt  }
0x68: {  	_ =	shalt  }
0x69: {  	_ =	shalt  }
0x6a: {  	_ =	shalt  }
0x6b: {  	_ =	shalt  }
0x6c: {  	_ =	shalt  }
0x6d: {  	_ =	shalt  }
0x6e: {  	_ =	shalt  }
0x6f: {  	_ =	shalt  }
0x70: {  	_ =	shalt  }
0x71: {  	_ =	shalt  }
0x72: {  	_ =	shalt  }
0x73: {  	_ =	shalt  }
0x74: {  	_ =	shalt  }
0x75: {  	_ =	shalt  }
0x76: {  	_ =	shalt  }
0x77: {  	_ =	shalt  }
0x78: {  	_ =	shalt  }
0x79: {  	_ =	shalt  }
0x7a: {  	_ =	shalt  }
0x7b: {  	_ =	shalt  }
0x7c: {  	_ =	shalt  }
0x7d: {  	_ =	shalt  }
0x7e: {  	_ =	shalt  }
0x7f: {  	_ =	shalt  }
0x80: {  	_ =	shalt  }
0x81: {  	_ =	shalt  }
0x82: {  	_ =	shalt  }
0x83: {  	_ =	shalt  }
0x84: {  	_ =	shalt  }
0x85: {  	_ =	shalt  }
0x86: {  	_ =	shalt  }
0x87: {  	_ =	shalt  }
.Lfunc_end0:
.L_simem_size_0:
called_computation_lowered:
.L_overlay_start_0:
0x88: {  	s2 =	sld [smem:$0x3FD9]  }
0x89: {  	s3 =	sld [smem:$0x3FFE];
	_ =	sdelay $0x1  }
0x8a: {  	s1 =	srdreg.scid  }
0x8b: {  	s0 =	sand.u32 $0x1, s1  }
0x8c: {  	s17 =	sshll.u32 s0, $0xA;
	s2 =	sadd.s32 s3, s2  }
0x8d: {  	s2 =	sadd.s32 s2, s17  }
0x8e: {  	[smem:$0x3FC2] =	sst s2  }
0x8f: {  	_ = 	snop  }
0x90: {  	s2 =	sld [smem:$0x3FD0];
	(tm) =	ssettm $0x1  }
0x91: {  	s18 =	sld [smem:$0x3FFB];
	_ =	sdelay $0x3  }
0x92: {  	_ =	strace s18  }
0x93: {  	s3 =	sld [smem:$0x3FFC];
	_ =	sdelay $0x3  }
0x94: {  	_ =	strace s3  }
0x95: {  	s3 =	sld [smem:$0x3FFD];
	_ =	sdelay $0x3  }
0x96: {  	_ =	strace s3  }
0x97: {  	_ =	strace $0x8FFFFFFF  }
0x98: {  	s19 =	sld [smem:$0x3FDB];
	_ =	sdelay $0x1  }
0x99: {  	s4 =	simm.s32 $_scs_section_size  }
0x9a: {  	s5 =	simm.s32 $_size__tile_overlayer_lowered;
	s6 =	simm.s32 $_tile_overlayer_lowered  }
0x9b: {  	s22 =	simm.s32 $0x1BFF;
	s21 =	sshll.u32 s6, $0x1;
	s3 =	sadd.s32 s4, s19  }
0x9c: {  	s7 =	simm.s32 $0x0;
	s20 =	sshll.u32 s5, $0x1;
	s5 =	sadd.s32 s21, s3  }
0x9d: {  	[timem:s7], [sflag:s22] =	dma.local [hbm:s5], s20  }
0x9e: {  	_ =	swait.ge [sflag:s22], s20  }
0x9f: {  	s4 =	ssub.s32 $0x0, s20;
	[sflag:s22] =	ssyncset.done $0x0  }
0xa0: {  	[sflag:s22] =	ssyncadd.s32 s4;
	_ =	sdelay $0x1  }
0xa1: {  	s23 =	simm.s32 $0x1B8B  }
0xa2: {  	_ =	swait.ge [sflag:s23], $0x1  }
0xa3: {  	[sflag:s23] =	ssyncset.done $0x0  }
0xa4: {  	s25 =	simm.s32 $0x1B8E;
	s24 =	sld [smem:$0x3FFE];
	[sflag:s23] =	ssyncadd.s32 $0xFFFFFFFF  }
0xa5: {  	s26 =	simm.s32 $execute0_lowered;
	[smem:$0x3FD2] =	sst s25  }
0xa6: {  	s5 =	sshll.u32 s26, $0x1;
	_ =	strace $0x80000046;
	[dreg:$0x1] =	wrdreg $0xFFFFFFFF  }
0xa7: {  	s28 =	simm.s32 $_size_execute0_lowered;
	s3 =	sadd.s32 s3, s5;
	[dreg:$0x0] =	wrdreg $0x0  }
0xa8: {  	s5 =	sshll.u32 s28, $0x1;
	[dreg:$0x2] =	wrdreg s3  }
0xa9: {  	[dreg:$0x3] =	wrdreg s5  }
0xaa: {  	[dreg:$0x4] =	wrdreg $0xC0  }
0xab: {  	_ =	task [dreg:s7], $0x5FFFF  }
0xac: {  	[dreg:$0x1] =	wrdreg $0xFFFFFFFF  }
0xad: {  	[dreg:$0x0] =	wrdreg $0x60  }
0xae: {  	[dreg:$0x2] =	wrdreg s24  }
0xaf: {  	[dreg:$0x3] =	wrdreg s2  }
0xb0: {  	[dreg:$0x4] =	wrdreg $0x9  }
0xb1: {  	_ =	task.clear_ibuf [dreg:s7], $0x5FFFF;
	_ =	strace $0x90000046  }
0xb2: {  	s29 =	simm.s32 $0x9;
	_ =	strace $0x80000048  }
0xb3: {  	_ =	swait.ge [sflag:s29], $0x1  }
0xb4: {  	[sflag:s29] =	ssyncadd.s32 $0xFFFFFFFF  }
0xb5: {  	_ =	strace $0x90000048  }
0xb6: {  	_ =	sfence  }
0xb7: {  	s30 =	sld [smem:$0x0];
	_ =	sdelay $0x2  }
0xb8: {  	s31 =	sshll.u32 s1, $0xD;
	s1 =	sshrl.u32 s1, $0x2  }
0xb9: {  	s3 =	sand.u32 $0x4000, s31;
	s1 =	sadd.s32 s1, s30  }
0xba: {  	s0 =	sor.u32 s3, s0;
	s1 =	sshll.u32 s1, $0x11  }
0xbb: {  	s0 =	sor.u32 s1, s0  }
0xbc: {  	s0 =	sadd.s32 $0x8F2B, s0  }
0xbd: {  	[sflag:s0] =	ssyncadd.remote.s32 $0x1  }
0xbe: {  	_ =	sfence.sel $0xFFFF  }
0xbf: {  	[dreg:$0x0] =	wrdreg $0xFFFFFFFF;
	(pc) =	sbr.abs _section_cstart, $3  }
0xc0: {  	[dreg:$0x1] =	wrdreg $0xFFFFFFFF  }
0xc1: {  	_ =	task.clear_ibuf [dreg:s7], $0x2FFFF;
	_ =	strace $0x9FFFFFFF  }
0xc2: {  	(tm) =	ssettm $0x7FFFFFFF  }
0xc3: {  	_ =	shalt  }
tec
execute0_lowered:
.L_overlay_start_1:
0x0: {  	(tag) =	ssettag $0x1  }
0x1: {  	s0 =	srdreg.scid  }
0x2: {  	s3 =	sand.u32 $0x1, s0  }
0x3: {  	s4 =	rddreg [dreg:$0x0];
	s0 =	stileid.u32;
	s1 =	sshll.u32 s3, $0x4  }
0x4: {  	s6 =	rddreg [dreg:$0x1];
	s1 =	sor.u32 s0, s1  }
0x5: {  	s2 =	simm.s32 $0x0;
	s9 =	simm.s32 $0x1400;
	s5 =	sshrl.u32 s1, $0x3  }
0x6: {  	[smem:$0x7FF] =	sst s2;
	s7 =	sshll.u32 s0, $0x7;
	s8 =	smul.u32 $0xA000, s5  }
0x7: {  	s3 =	ssub.s32 $0x2, s3;
	s7 =	sand.u32 $0x380, s7;
	s5 =	smul.u32 $0x14000, s5  }
0x8: {  	s29 =	sshrl.u32 s3, $0x1;
	s1 =	rddreg [dreg:$0x2];
	_ =	strace $0x80000047  }
0x9: {  	s30 =	ssub.s32 s3, s29;
	s8 =	sor.u32 s7, s8;
	s5 =	sor.u32 s7, s5  }
0xa: {  	s7 =	simm.s32 $0x400;
	s8 =	sshrl.u32 s8, $0x3;
	s31 =	sshrl.u32 s5, $0x3  }
0xb: {  	s5 =	smax.u32 s30, $0x1;
	s4 =	sadd.s32 s8, s4;
	s8 =	simm.s32 $0x1  }
0xc: {  	v0 =	vimm.f32 $0.0e+00;
	v1 =	vimm.f32 $1.000000000e+00;
	s3 =	sadd.s32 $0x7800, s4;
	s4 =	sadd.s32 s6, s31;
	s6 =	simm.s32 $0x80  }
.LBB2_1:
0xd: {  	s10 =	simm.s32 $0x40;
	s11 =	simm.s32 $0x0  }
.LBB2_2:
0xe: {  	p0 =	sne.s32 s10, $0x9FC0;
	[tilespmem:s11+$0x1400] =	vst v0;
	s11 =	smov.u32 s10;
	s10 =	sadd.s32 $0x40, s10  }
.Ltmp0:
0xf: {  	(pc) =	sbr.rel @p0 .LBB2_2-.Ltmp0, $2  }
0x10: {  	_ =	sdelay $0x2  }
0x11: {  	s11 =	sshra.s32 s11, $0x2  }
0x12: {  	[tilespmem:s11+$0x1400] =	vst v0;
	s10 =	simm.s32 $0x0  }
0x13: {  	[tilespmem:s10], [sflag:$0x1] =	stream.strided.gather [hbm4b:s3+s6], $0x1400, s7, s6, $0x38;
	[tilespmem:$0x3C00] =	vst v63  }
0x14: {  	_ =	swait.ge [sflag:s8], $0x1400  }
0x15: {  	[sflag:s8] =	ssyncset.done $0x0  }
0x16: {  	s11 =	simm.s32 $0x0;
	s10 =	simm.s32 $0x40;
	[sflag:s8] =	ssyncadd.s32 $0xFFFFEC00  }
.LBB2_4:
0x17: {  	p0 =	sne.s32 s10, $0x4FC0;
	v2 =	vld [tilespmem:s11+$0x0];
	_ =	sdelay $0x3  }
.Ltmp1:
0x18: {  	(pc) =	sbr.rel @p0 .LBB2_4-.Ltmp1, $2  }
0x19: {  	_ =	sdelay $0x2  }
0x1a: {  	s11 =	sshra.s32 s10, $0x2;
	s10 =	sadd.s32 $0x40, s10;
	[tilespmem:v2+s9+$0x0] =	vst.idx.add.f32.msk $0xffff, v1  }
0x1b: {  	v2 =	vld [tilespmem:s11+$0x0];
	_ =	sdelay $0x5  }
0x1c: {  	s2 =	sadd.s32 $0x1, s2  }
0x1d: {  	p0 =	sne.s32 s2, s5  }
.Ltmp2:
0x1e: {  	[tilespmem:v2+s9+$0x0] =	vst.idx.add.f32.msk $0xffff, v1;
	(pc) =	sbr.rel @p0 .LBB2_1-.Ltmp2, $4  }
0x1f: {  	[hbm4b:s4+s6] =	stream.strided.scatter [tilespmem:s9], [sflag:$0x1], $0x2800, s7, s6, $0x38;
	[tilespmem:$0x3C00] =	vst v63  }
0x20: {  	_ =	swait.ge [sflag:s8], $0x2800  }
0x21: {  	[sflag:s8] =	ssyncset.done $0x0  }
0x22: {  	[sflag:s8] =	ssyncadd.s32 $0xFFFFD800  }
0x23: {  	_ =	sfence.sel $0x180000  }
0x24: {  	[bflag:$0x0] =	sbarrier.arrive $0xFFFF  }
0x25: {  	p0 =	sne.s32 s0, $0x0;
	_ =	strace $0x90000047  }
0x26: {  	s0 =	sadd.s32 @!p0 $0x100000, s1;
	[bflag:$0x2] =	sbarrier.arrive $0xFFFF  }
0x27: {  	[sflag:s0] =	ssyncadd.tile.s32 @!p0 $0x1;
	_ =	shalt  }
.Lfunc_end2:
_tile_overlayer_lowered:
.L_overlay_start_2:
0x28: {  	(tag) =	ssettag $0x2  }
0x29: {  	s0 =	rddreg [dreg:$0x0];
	s2 =	stileid.u32  }
0x2a: {  	s1 =	rddreg [dreg:$0x1];
	p0 =	sne.s32 s2, $0x0  }
0x2b: {  	s3 =	rddreg [dreg:$0x2];
	[bflag:$0x3] =	sbarrier.arrive $0xFFFF;
	s2 =	simm.s32 @!p0 $0x1C01  }
0x2c: {  	[timem:s3], [sflag:s2] =	dma.local @!p0 [hbm:s0], s1  }
0x2d: {  	s0 =	simm.s32 @!p0 $0x1  }
0x2e: {  	_ =	swait.ge @!p0 [sflag:s0], s1  }
0x2f: {  	s1 =	ssub.s32 @!p0 $0x0, s1;
	[sflag:s0] =	ssyncset.done @!p0 $0x0  }
0x30: {  	[sflag:s0] =	ssyncadd.s32 @!p0 s1  }
0x31: {  	[bflag:$0x3] =	sbarrier.arrive $0xFFFF  }
0x32: {  	_ =	shalt  }

</sc_bundles>
